<compile_context>
chip_gen: v7x
topology: tpu7x:2x2x1
jax: 0.10.2.dev20260603
libtpu: 0.0.44.dev20260713+nightly
codegen_flags: <defaults>
</compile_context>

<pallas_src>
import functools
import math

import jax
import jax.numpy as jnp
from jax import lax
from jax.experimental import pallas as pl
from jax.experimental.pallas import tpu as pltpu
from jax.experimental.pallas import tpu_sc as plsc

_B, _T, _N, _D, _H, _TOPK = 4, 64, 64, 24, 32, 8
_TB = 16
_R = _B * _T * _N
_NW = 32
_RPW = _R // _NW
_LANES = 16


def _gelu(x):
    return 0.5 * x * (1.0 + jax.lax.erf(x * (1.0 / math.sqrt(2.0))))


def _dense_body(state_ref, emb_ref, alpha_ref, W1_ref, b1_ref, W2_ref, b2_ref,
                W3_ref, b3_ref, Wq_ref, bq_ref, Wk_ref, bk_ref,
                svals_ref, sidx_ref, msel_ref):
    X = state_ref[...]
    emb = emb_ref[...]
    alpha_raw = alpha_ref[...]
    W1 = W1_ref[...]
    b1 = b1_ref[...]
    W2 = W2_ref[...]
    b2 = b2_ref[...]
    W3c = W3_ref[...]
    b3 = b3_ref[...]
    Wq = Wq_ref[...]
    bq = bq_ref[...]
    Wk = Wk_ref[...]
    bk = bk_ref[...]

    f32 = jnp.float32
    i32 = jnp.int32
    TB, N, D, H, K = _TB, _N, _D, _H, _TOPK
    S = N * K

    feats = jnp.concatenate(
        [X[:, :, None], jnp.broadcast_to(emb[None, :, :], (TB, N, D))],
        axis=2)
    featsf = feats.reshape(TB * N, 1 + D)
    q = (jax.lax.dot_general(featsf, Wq, (((1,), (1,)), ((), ())))
         + bq).reshape(TB, N, D)
    k = (jax.lax.dot_general(featsf, Wk, (((1,), (1,)), ((), ())))
         + bk).reshape(TB, N, D)
    scores = jax.lax.dot_general(
        q, k, (((2,), (2,)), ((0,), (0,)))) / (D ** 0.5)

    NEG = jnp.float32(-3.0e38)
    jota = jax.lax.broadcasted_iota(i32, (TB, N, N), 2)
    work = scores
    vals = []
    idxs = []
    for _r in range(K):
        m = jnp.max(work, axis=2)
        is_m = work >= m[:, :, None]
        fi = jnp.min(jnp.where(is_m, jota, N), axis=2)
        pick = jota == fi[:, :, None]
        work = jnp.where(pick, NEG, work)
        vals.append(m)
        idxs.append(fi)
    svals_ref[...] = jnp.stack(vals, axis=2).reshape(TB * N, K)
    sidx_ref[...] = jnp.stack(idxs, axis=2).reshape(TB * N, K)

    alpha = jax.nn.softplus(alpha_raw) + 0.01
    g = X / (1.0 + alpha * X)

    w_xi = W1[:, 0:1]
    w_xj = W1[:, 1:2]
    W_si = W1[:, 2:2 + D]
    W_sj = W1[:, 2 + D:2 + 2 * D]
    w_fl = W1[:, 50:51]
    w_lv = W1[:, 51:52]
    w_hl = W1[:, 52:53]
    w_hb = W1[:, 53:54]

    embSi = jax.lax.dot_general(W_si, emb, (((1,), (1,)), ((), ())),
                                preferred_element_type=f32)
    embSj = jax.lax.dot_general(W_sj, emb, (((1,), (1,)), ((), ())),
                                preferred_element_type=f32)

    Xb = X[None, :, :]
    gb = g[None, :, :]
    C = Xb * w_xi[:, :, None] + embSi[:, None, :] + b1[:, :, None]
    A = Xb * (w_xj + w_fl)[:, :, None] + embSj[:, None, :] \
        + gb * w_hl[:, :, None]
    E = Xb * w_lv[:, :, None] + gb * w_hb[:, :, None]

    tif = jnp.stack(idxs, axis=2).reshape(TB, S)
    jiota = jax.lax.broadcasted_iota(i32, (TB, N, S), 1)
    OH = jnp.where(tif[:, None, :] == jiota, 1.0, 0.0)
    riota = jax.lax.broadcasted_iota(i32, (N, S), 0)
    siota = jax.lax.broadcasted_iota(i32, (N, S), 1)
    OHC = jnp.where(lax.div(siota, K) == riota, 1.0, 0.0)
    Xrep = jax.lax.dot_general(X, OHC, (((1,), (0,)), ((), ())),
                               preferred_element_type=f32)
    OHX = OH * Xrep[:, None, :]

    h1_parts = []
    for t in range(TB):
        ct = jax.lax.dot_general(C[:, t, :], OHC, (((1,), (0,)), ((), ())),
                                 preferred_element_type=f32)
        at = jax.lax.dot_general(A[:, t, :], OH[t], (((1,), (0,)), ((), ())),
                                 preferred_element_type=f32)
        et = jax.lax.dot_general(E[:, t, :], OHX[t], (((1,), (0,)), ((), ())),
                                 preferred_element_type=f32)
        h1_parts.append(ct + at + et)
    h1s = jnp.concatenate(h1_parts, axis=1)
    h1s = _gelu(h1s)
    h2 = _gelu(jax.lax.dot_general(W2, h1s, (((1,), (0,)), ((), ())),
                                   preferred_element_type=f32) + b2)
    msel = jnp.sum(h2 * W3c, axis=0) + b3[0]
    msel_ref[...] = msel[None, None, :]


def _dense_call(state2, species_emb, holling_alpha_raw, W1, b1, W2, b2, W3,
                b3, Wq, bq, Wk, bk):
    N, K = _N, _TOPK
    RB = state2.shape[0]

    def row_blk(i):
        return (i, 0)

    def rep2(i):
        return (0, 0)

    in_specs = [
        pl.BlockSpec((_TB, N), row_blk),
        pl.BlockSpec((N, _D), rep2),
        pl.BlockSpec((1, N), rep2),
        pl.BlockSpec((_H, 54), rep2),
        pl.BlockSpec((_H, 1), rep2),
        pl.BlockSpec((_H, _H), rep2),
        pl.BlockSpec((_H, 1), rep2),
        pl.BlockSpec((_H, 1), rep2),
        pl.BlockSpec((1, _TB * N * K), rep2),
        pl.BlockSpec((_D, 1 + _D), rep2),
        pl.BlockSpec((1, _D), rep2),
        pl.BlockSpec((_D, 1 + _D), rep2),
        pl.BlockSpec((1, _D), rep2),
    ]
    out_specs = [
        pl.BlockSpec((_TB * N, K), row_blk),
        pl.BlockSpec((_TB * N, K), row_blk),
        pl.BlockSpec((1, 1, _TB * N * K), lambda i: (i, 0, 0)),
    ]
    out_shape = [
        jax.ShapeDtypeStruct((_R, K), jnp.float32),
        jax.ShapeDtypeStruct((_R, K), jnp.int32),
        jax.ShapeDtypeStruct((RB // _TB, 1, _TB * N * K), jnp.float32),
    ]
    return pl.pallas_call(
        _dense_body,
        grid=(RB // _TB,),
        in_specs=in_specs,
        out_specs=out_specs,
        out_shape=out_shape,
    )(state2, species_emb, holling_alpha_raw[None, :], W1, b1[:, None], W2,
      b2[:, None], W3.reshape(_H, 1),
      jnp.broadcast_to(b3.reshape(1, 1), (1, _TB * N * K)), Wq, bq[None, :],
      Wk, bk[None, :])


def _sc_attn_body(svals_hbm, sidx_hbm, msel_hbm, r_hbm, attn_hbm, lr_hbm,
                  sv_v, si_v, ms_v, r_v, at_v, lr_v):
    N, L, RPW, K = _N, _LANES, _RPW, _TOPK
    f32 = jnp.float32
    i32 = jnp.int32
    wid = lax.axis_index("s") * 2 + lax.axis_index("c")
    base = wid * RPW
    pltpu.sync_copy(svals_hbm.at[pl.ds(base * K, RPW * K)], sv_v)
    pltpu.sync_copy(sidx_hbm.at[pl.ds(base * K, RPW * K)], si_v)
    pltpu.sync_copy(msel_hbm.at[pl.ds(base * K, RPW * K)], ms_v)
    pltpu.sync_copy(r_hbm, r_v)
    iota = lax.iota(i32, L)

    @plsc.parallel_loop(0, RPW * N // L, unroll=8)
    def _(i):
        at_v[pl.ds(i * L, L)] = jnp.zeros((L,), f32)

    def chunk_body(cc, _):
        rbase = cc * L
        rowk = (rbase + iota) * K
        rowoff = (rbase + iota) * N
        rvec = r_v[pl.ds(lax.rem(rbase, N), L)]

        svs = [plsc.load_gather(sv_v, [rowk + kk]) for kk in range(K)]
        sis = [plsc.load_gather(si_v, [rowk + kk]) for kk in range(K)]
        mvs = [plsc.load_gather(ms_v, [rowk + kk]) for kk in range(K)]
        smax = svs[0]
        ps = [jnp.exp(v - smax) for v in svs]
        z = ps[0]
        for p in ps[1:]:
            z = z + p
        iz = 1.0 / z
        aggv = jnp.zeros((L,), f32)
        for kk in range(K):
            a = ps[kk] * iz
            plsc.store_scatter(at_v, [rowoff + sis[kk]], a)
            aggv = aggv + a * mvs[kk]
        lr_v[pl.ds(rbase, L)] = rvec + aggv
        return 0

    lax.fori_loop(0, RPW // L, chunk_body, 0)
    pltpu.sync_copy(at_v, attn_hbm.at[pl.ds(base * N, RPW * N)])
    pltpu.sync_copy(lr_v, lr_hbm.at[pl.ds(base, RPW)])


def _sc_attn_call(svals, sidx, msel, r):
    f32 = jnp.float32
    mesh = plsc.VectorSubcoreMesh(core_axis_name="c", subcore_axis_name="s")
    fn = functools.partial(
        pl.kernel,
        mesh=mesh,
        compiler_params=pltpu.CompilerParams(needs_layout_passes=False),
        out_type=[
            jax.ShapeDtypeStruct((_R * _N,), f32),
            jax.ShapeDtypeStruct((_R,), f32),
        ],
        scratch_types=[
            pltpu.VMEM((_RPW * _TOPK,), f32),
            pltpu.VMEM((_RPW * _TOPK,), jnp.int32),
            pltpu.VMEM((_RPW * _TOPK,), f32),
            pltpu.VMEM((_N,), f32),
            pltpu.VMEM((_RPW * _N,), f32),
            pltpu.VMEM((_RPW,), f32),
        ],
    )(_sc_attn_body)
    return fn(svals.reshape(_R * _TOPK), sidx.reshape(_R * _TOPK),
              msel.reshape(_R * _TOPK), r)


def kernel(state, species_emb, holling_alpha_raw, W1, b1, W2, b2, W3, b3,
           Wq, bq, Wk, bk, r):
    B, T, N = state.shape
    state2 = state.reshape(B * T, N)
    svals, sidx, msel = _dense_call(state2, species_emb, holling_alpha_raw,
                                    W1, b1, W2, b2, W3, b3, Wq, bq, Wk, bk)
    attn_flat, lr_flat = _sc_attn_call(svals, sidx, msel, r)
    return (lr_flat.reshape(B, T, N), attn_flat.reshape(B, T, N, N))

# --- scband reference (transcript-rebuilt; emitter-appended) ---
"""Pipeline reference for scband-cvhi-ncd-84834194030611 (READ-ONLY COPY).

The authoritative reference and input builder live on the scoring server;
editing this copy changes nothing except your own understanding.
"""

import jax, jax.numpy as jnp
import numpy as np

B, T = 4, 64
NV, NH = 64, 0
N = NV + NH
D = 24          # d_species
TOPK = 8
H = 32          # d_msg_hidden
IN_DIM = 2 + 2 * D + 4  # xi, xj, s_i, s_j, 4 formula hints = 54


def _linear_init(k, out_dim, in_dim):
    kw, kb = jax.random.split(k)
    bound = 1.0 / np.sqrt(in_dim)
    W = jax.random.uniform(kw, (out_dim, in_dim), minval=-bound, maxval=bound, dtype=jnp.float32)
    b = jax.random.uniform(kb, (out_dim,), minval=-bound, maxval=bound, dtype=jnp.float32)
    return W, b


def setup_inputs(seed: int = 0) -> dict:
    key = jax.random.key(seed)
    ks = jax.random.split(key, 8)
    inp = {}
    # forward input: population state, positive values in [0,1)
    inp["state"] = jax.random.uniform(ks[0], (B, T, N), dtype=jnp.float32)
    # learned parameters
    inp["species_emb"] = 0.1 * jax.random.normal(ks[1], (N, D), dtype=jnp.float32)
    inp["holling_alpha_raw"] = jnp.zeros((N,), dtype=jnp.float32)
    inp["W1"], inp["b1"] = _linear_init(ks[2], H, IN_DIM)
    inp["W2"], inp["b2"] = _linear_init(ks[3], H, H)
    inp["W3"], inp["b3"] = _linear_init(ks[4], 1, H)
    inp["Wq"], inp["bq"] = _linear_init(ks[5], D, 1 + D)
    inp["Wk"], inp["bk"] = _linear_init(ks[6], D, 1 + D)
    inp["r"] = jnp.zeros((N,), dtype=jnp.float32)
    return inp


def reference(state, species_emb, holling_alpha_raw, W1, b1, W2, b2, W3, b3, Wq, bq, Wk, bk, r):
    Bc, Tc, Nc = state.shape
    d = D
    # ---- compute_messages: pair features (B,T,N,N,IN_DIM) ----
    xi = state[:, :, :, None]            # (B,T,N,1) receiver
    xj = state[:, :, None, :]            # (B,T,1,N) sender
    xi_e = jnp.broadcast_to(xi[..., None], (Bc, Tc, Nc, Nc, 1))
    xj_e = jnp.broadcast_to(xj[..., None], (Bc, Tc, Nc, Nc, 1))
    si = jnp.broadcast_to(species_emb[None, None, :, None, :], (Bc, Tc, Nc, Nc, d))
    sj = jnp.broadcast_to(species_emb[None, None, None, :, :], (Bc, Tc, Nc, Nc, d))
    alpha = (jax.nn.softplus(holling_alpha_raw) + 0.01)[None, None, None, :]  # (1,1,1,N)
    f_linear = xj_e
    f_lv = jnp.broadcast_to((xi * xj)[..., None], (Bc, Tc, Nc, Nc, 1))
    f_holl_lin = jnp.broadcast_to((xj / (1.0 + alpha * xj))[..., None], (Bc, Tc, Nc, Nc, 1))
    f_holl_bi = jnp.broadcast_to((xi * xj / (1.0 + alpha * xj))[..., None], (Bc, Tc, Nc, Nc, 1))
    pair = jnp.concatenate([xi_e, xj_e, si, sj, f_linear, f_lv, f_holl_lin, f_holl_bi], axis=-1)
    h = jax.nn.gelu(pair @ W1.T + b1, approximate=False)
    h = jax.nn.gelu(h @ W2.T + b2, approximate=False)
    msgs = (h @ W3.T + b3)[..., 0]       # (B,T,N,N), [i,j] = message j->i
    # ---- attention over neighbors (temporal_feat is None) ----
    emb = jnp.broadcast_to(species_emb[None, None, :, :], (Bc, Tc, Nc, d))
    feats = jnp.concatenate([state[..., None], emb], axis=-1)  # (B,T,N,1+d)
    q = feats @ Wq.T + bq
    k = feats @ Wk.T + bk
    scores = jnp.einsum('btnd,btmd->btnm', q, k) / (d ** 0.5)
    if TOPK < Nc:
        tv, ti = jax.lax.top_k(scores, TOPK)   # (B,T,N,TOPK)
        idx0 = jnp.arange(Bc)[:, None, None, None]
        idx1 = jnp.arange(Tc)[None, :, None, None]
        idx2 = jnp.arange(Nc)[None, None, :, None]
        mask = jnp.full(scores.shape, -jnp.inf, dtype=scores.dtype)
        mask = mask.at[idx0, idx1, idx2, ti].set(tv)   # scatter-overwrite
        attn = jax.nn.softmax(mask, axis=-1)
    else:
        attn = jax.nn.softmax(scores, axis=-1)
    agg = (attn * msgs).sum(axis=-1)                  # (B,T,N)
    log_ratio = r[None, None, :] + agg
    return log_ratio, attn

if __name__ == "__main__":
    import jax
    _d = setup_inputs()
    print(jax.jit(kernel)(*tuple(_d.values())))

</pallas_src>

<mosaic_0001>
#map = affine_map<(d0, d1) -> (0)>
module attributes {stable_mosaic.version = 14 : i64} {
  func.func @_sc_attn_body(%arg0: i32, %arg1: i32, %arg2: memref<131072xf32, #tpu.memory_space<hbm>>, %arg3: memref<131072xi32, #tpu.memory_space<hbm>>, %arg4: memref<131072xf32, #tpu.memory_space<hbm>>, %arg5: memref<64xf32, #tpu.memory_space<hbm>>, %arg6: memref<1048576xf32, #tpu.memory_space<hbm>>, %arg7: memref<16384xf32, #tpu.memory_space<hbm>>, %arg8: memref<4096xf32, #tpu.memory_space<vmem>>, %arg9: memref<4096xi32, #tpu.memory_space<vmem>>, %arg10: memref<4096xf32, #tpu.memory_space<vmem>>, %arg11: memref<64xf32, #tpu.memory_space<vmem>>, %arg12: memref<32768xf32, #tpu.memory_space<vmem>>, %arg13: memref<512xf32, #tpu.memory_space<vmem>>) attributes {dimension_semantics = [#tpu.dimension_semantics<core_parallel>, #tpu.dimension_semantics<subcore_parallel>], iteration_bounds = array<i64: 2, 16>, scalar_prefetch = 0 : i64, scratch_operands = 6 : i64, tpu.core_type = #tpu.core_type<sc_vector_subcore>, window_params = [{transform_indices = #map}, {transform_indices = #map}, {transform_indices = #map}, {transform_indices = #map}, {transform_indices = #map}, {transform_indices = #map}]} {
    %mul3A = arith.constant 2 : i32
    %mul3A_0 = arith.muli %arg1, %mul3A : i32
    %add3A = arith.addi %mul3A_0, %arg0 : i32
    %mul3A_1 = arith.constant 512 : i32
    %mul3A_2 = arith.muli %add3A, %mul3A_1 : i32
    %mul3A_3 = arith.constant 8 : i32
    %mul3A_4 = arith.muli %mul3A_2, %mul3A_3 : i32
    "tpu.region"() ({
      %run_scoped3A = tpu.sem_alloc : memref<!tpu.dma_semaphore, #tpu.memory_space<semaphore_mem>>
      %dma_start3A = tpu.memref_slice %arg2[%mul3A_4] : memref<131072xf32, #tpu.memory_space<hbm>> -> memref<4096xf32, #tpu.memory_space<hbm>>
      %dma_start3A_19 = tpu.memref_slice %arg2[%mul3A_4] : memref<131072xf32, #tpu.memory_space<hbm>> -> memref<4096xf32, #tpu.memory_space<hbm>>
      tpu.enqueue_dma source(%dma_start3A_19 : memref<4096xf32, #tpu.memory_space<hbm>>) target(%arg8 : memref<4096xf32, #tpu.memory_space<vmem>>) target_semaphore(%run_scoped3A : memref<!tpu.dma_semaphore, #tpu.memory_space<semaphore_mem>>)
      %dma_wait3A = tpu.memref_slice %arg2[%mul3A_4] : memref<131072xf32, #tpu.memory_space<hbm>> -> memref<4096xf32, #tpu.memory_space<hbm>>
      %dma_wait3A_20 = tpu.memref_slice %arg2[%mul3A_4] : memref<131072xf32, #tpu.memory_space<hbm>> -> memref<4096xf32, #tpu.memory_space<hbm>>
      tpu.wait_dma2 semaphore(%run_scoped3A : memref<!tpu.dma_semaphore, #tpu.memory_space<semaphore_mem>>) src(%dma_wait3A_20 : memref<4096xf32, #tpu.memory_space<hbm>>) dst(%arg8 : memref<4096xf32, #tpu.memory_space<vmem>>)
      tpu.yield
    }) : () -> ()
    %mul3A_5 = arith.constant 8 : i32
    %mul3A_6 = arith.muli %mul3A_2, %mul3A_5 : i32
    "tpu.region"() ({
      %run_scoped3A = tpu.sem_alloc : memref<!tpu.dma_semaphore, #tpu.memory_space<semaphore_mem>>
      %dma_start3A = tpu.memref_slice %arg3[%mul3A_6] : memref<131072xi32, #tpu.memory_space<hbm>> -> memref<4096xi32, #tpu.memory_space<hbm>>
      %dma_start3A_19 = tpu.memref_slice %arg3[%mul3A_6] : memref<131072xi32, #tpu.memory_space<hbm>> -> memref<4096xi32, #tpu.memory_space<hbm>>
      tpu.enqueue_dma source(%dma_start3A_19 : memref<4096xi32, #tpu.memory_space<hbm>>) target(%arg9 : memref<4096xi32, #tpu.memory_space<vmem>>) target_semaphore(%run_scoped3A : memref<!tpu.dma_semaphore, #tpu.memory_space<semaphore_mem>>)
      %dma_wait3A = tpu.memref_slice %arg3[%mul3A_6] : memref<131072xi32, #tpu.memory_space<hbm>> -> memref<4096xi32, #tpu.memory_space<hbm>>
      %dma_wait3A_20 = tpu.memref_slice %arg3[%mul3A_6] : memref<131072xi32, #tpu.memory_space<hbm>> -> memref<4096xi32, #tpu.memory_space<hbm>>
      tpu.wait_dma2 semaphore(%run_scoped3A : memref<!tpu.dma_semaphore, #tpu.memory_space<semaphore_mem>>) src(%dma_wait3A_20 : memref<4096xi32, #tpu.memory_space<hbm>>) dst(%arg9 : memref<4096xi32, #tpu.memory_space<vmem>>)
      tpu.yield
    }) : () -> ()
    %mul3A_7 = arith.constant 8 : i32
    %mul3A_8 = arith.muli %mul3A_2, %mul3A_7 : i32
    "tpu.region"() ({
      %run_scoped3A = tpu.sem_alloc : memref<!tpu.dma_semaphore, #tpu.memory_space<semaphore_mem>>
      %dma_start3A = tpu.memref_slice %arg4[%mul3A_8] : memref<131072xf32, #tpu.memory_space<hbm>> -> memref<4096xf32, #tpu.memory_space<hbm>>
      %dma_start3A_19 = tpu.memref_slice %arg4[%mul3A_8] : memref<131072xf32, #tpu.memory_space<hbm>> -> memref<4096xf32, #tpu.memory_space<hbm>>
      tpu.enqueue_dma source(%dma_start3A_19 : memref<4096xf32, #tpu.memory_space<hbm>>) target(%arg10 : memref<4096xf32, #tpu.memory_space<vmem>>) target_semaphore(%run_scoped3A : memref<!tpu.dma_semaphore, #tpu.memory_space<semaphore_mem>>)
      %dma_wait3A = tpu.memref_slice %arg4[%mul3A_8] : memref<131072xf32, #tpu.memory_space<hbm>> -> memref<4096xf32, #tpu.memory_space<hbm>>
      %dma_wait3A_20 = tpu.memref_slice %arg4[%mul3A_8] : memref<131072xf32, #tpu.memory_space<hbm>> -> memref<4096xf32, #tpu.memory_space<hbm>>
      tpu.wait_dma2 semaphore(%run_scoped3A : memref<!tpu.dma_semaphore, #tpu.memory_space<semaphore_mem>>) src(%dma_wait3A_20 : memref<4096xf32, #tpu.memory_space<hbm>>) dst(%arg10 : memref<4096xf32, #tpu.memory_space<vmem>>)
      tpu.yield
    }) : () -> ()
    "tpu.region"() ({
      %run_scoped3A = tpu.sem_alloc : memref<!tpu.dma_semaphore, #tpu.memory_space<semaphore_mem>>
      tpu.enqueue_dma source(%arg5 : memref<64xf32, #tpu.memory_space<hbm>>) target(%arg11 : memref<64xf32, #tpu.memory_space<vmem>>) target_semaphore(%run_scoped3A : memref<!tpu.dma_semaphore, #tpu.memory_space<semaphore_mem>>)
      tpu.wait_dma2 semaphore(%run_scoped3A : memref<!tpu.dma_semaphore, #tpu.memory_space<semaphore_mem>>) src(%arg5 : memref<64xf32, #tpu.memory_space<hbm>>) dst(%arg11 : memref<64xf32, #tpu.memory_space<vmem>>)
      tpu.yield
    }) : () -> ()
    %iota3A = tpu.iota {dimensions = array<i32: 0>} : vector<16xi32>
    %parallel_loop3A = arith.constant 0 : i32
    %parallel_loop3A_9 = arith.constant 2048 : i32
    %parallel_loop3A_10 = arith.constant 1 : i32
    scf.for %parallel_loop3A_19 = %parallel_loop3A to %parallel_loop3A_9 step %parallel_loop3A_10  : i32 {
      %parallel_loop3A_20 = arith.constant 0.000000e+00 : f32
      %parallel_loop3A_21 = vector.broadcast %parallel_loop3A_20 : f32 to vector<16xf32>
      %parallel_loop3A_22 = arith.constant 16 : i32
      %parallel_loop3A_23 = arith.muli %parallel_loop3A_19, %parallel_loop3A_22 : i32
      %parallel_loop3A_24 = arith.index_cast %parallel_loop3A_23 : i32 to index
      %parallel_loop3A_25 = tpu.vector_load %arg12[%parallel_loop3A_24] {strides = array<i32>} : memref<32768xf32, #tpu.memory_space<vmem>>, vector<16xf32>,
      tpu.vector_store %arg12[%parallel_loop3A_24], %parallel_loop3A_21 {strides = array<i32>} : memref<32768xf32, #tpu.memory_space<vmem>>, vector<16xf32>,
    } {sc.loop_unroll_factor = 8 : i64, sc.parallel_access}
    %scan3A = arith.constant 0 : i32
    %scan3A_11 = arith.constant 0 : i32
    %scan3A_12 = arith.constant 32 : i32
    %scan3A_13 = arith.addi %scan3A_11, %scan3A_12 : i32
    %scan3A_14 = arith.constant 1 : i32
    %scan3A_15 = scf.for %scan3A_19 = %scan3A_11 to %scan3A_13 step %scan3A_14 iter_args(%scan3A_20 = %scan3A) -> (i32)  : i32 {
      %mul3A_21 = arith.constant 16 : i32
      %mul3A_22 = arith.muli %scan3A_19, %mul3A_21 : i32
      %add3A_23 = vector.broadcast %mul3A_22 : i32 to vector<16xi32>
      %add3A_24 = arith.addi %add3A_23, %iota3A : vector<16xi32>
      %mul3A_25 = arith.constant 8 : i32
      %mul3A_26 = vector.broadcast %mul3A_25 : i32 to vector<16xi32>
      %mul3A_27 = arith.muli %add3A_24, %mul3A_26 : vector<16xi32>
      %add3A_28 = vector.broadcast %mul3A_22 : i32 to vector<16xi32>
      %add3A_29 = arith.addi %add3A_28, %iota3A : vector<16xi32>
      %mul3A_30 = arith.constant 64 : i32
      %mul3A_31 = vector.broadcast %mul3A_30 : i32 to vector<16xi32>
      %mul3A_32 = arith.muli %add3A_29, %mul3A_31 : vector<16xi32>
      %rem3A = arith.constant 64 : i32
      %rem3A_33 = arith.remsi %mul3A_22, %rem3A : i32
      %get3A = arith.index_cast %rem3A_33 : i32 to index
      %get3A_34 = tpu.vector_load %arg11[%get3A] {strides = array<i32>} : memref<64xf32, #tpu.memory_space<vmem>>, vector<16xf32>,
      %add3A_35 = arith.constant 0 : i32
      %add3A_36 = vector.broadcast %add3A_35 : i32 to vector<16xi32>
      %add3A_37 = arith.addi %mul3A_27, %add3A_36 : vector<16xi32>
      %gather3A = tpu.vector_load_idx %arg8[%add3A_37] : memref<4096xf32, #tpu.memory_space<vmem>>[vector<16xi32>], vector<16xf32>,
      %add3A_38 = arith.constant 1 : i32
      %add3A_39 = vector.broadcast %add3A_38 : i32 to vector<16xi32>
      %add3A_40 = arith.addi %mul3A_27, %add3A_39 : vector<16xi32>
      %gather3A_41 = tpu.vector_load_idx %arg8[%add3A_40] : memref<4096xf32, #tpu.memory_space<vmem>>[vector<16xi32>], vector<16xf32>,
      %add3A_42 = arith.constant 2 : i32
      %add3A_43 = vector.broadcast %add3A_42 : i32 to vector<16xi32>
      %add3A_44 = arith.addi %mul3A_27, %add3A_43 : vector<16xi32>
      %gather3A_45 = tpu.vector_load_idx %arg8[%add3A_44] : memref<4096xf32, #tpu.memory_space<vmem>>[vector<16xi32>], vector<16xf32>,
      %add3A_46 = arith.constant 3 : i32
      %add3A_47 = vector.broadcast %add3A_46 : i32 to vector<16xi32>
      %add3A_48 = arith.addi %mul3A_27, %add3A_47 : vector<16xi32>
      %gather3A_49 = tpu.vector_load_idx %arg8[%add3A_48] : memref<4096xf32, #tpu.memory_space<vmem>>[vector<16xi32>], vector<16xf32>,
      %add3A_50 = arith.constant 4 : i32
      %add3A_51 = vector.broadcast %add3A_50 : i32 to vector<16xi32>
      %add3A_52 = arith.addi %mul3A_27, %add3A_51 : vector<16xi32>
      %gather3A_53 = tpu.vector_load_idx %arg8[%add3A_52] : memref<4096xf32, #tpu.memory_space<vmem>>[vector<16xi32>], vector<16xf32>,
      %add3A_54 = arith.constant 5 : i32
      %add3A_55 = vector.broadcast %add3A_54 : i32 to vector<16xi32>
      %add3A_56 = arith.addi %mul3A_27, %add3A_55 : vector<16xi32>
      %gather3A_57 = tpu.vector_load_idx %arg8[%add3A_56] : memref<4096xf32, #tpu.memory_space<vmem>>[vector<16xi32>], vector<16xf32>,
      %add3A_58 = arith.constant 6 : i32
      %add3A_59 = vector.broadcast %add3A_58 : i32 to vector<16xi32>
      %add3A_60 = arith.addi %mul3A_27, %add3A_59 : vector<16xi32>
      %gather3A_61 = tpu.vector_load_idx %arg8[%add3A_60] : memref<4096xf32, #tpu.memory_space<vmem>>[vector<16xi32>], vector<16xf32>,
      %add3A_62 = arith.constant 7 : i32
      %add3A_63 = vector.broadcast %add3A_62 : i32 to vector<16xi32>
      %add3A_64 = arith.addi %mul3A_27, %add3A_63 : vector<16xi32>
      %gather3A_65 = tpu.vector_load_idx %arg8[%add3A_64] : memref<4096xf32, #tpu.memory_space<vmem>>[vector<16xi32>], vector<16xf32>,
      %add3A_66 = arith.constant 0 : i32
      %add3A_67 = vector.broadcast %add3A_66 : i32 to vector<16xi32>
      %add3A_68 = arith.addi %mul3A_27, %add3A_67 : vector<16xi32>
      %gather3A_69 = tpu.vector_load_idx %arg9[%add3A_68] : memref<4096xi32, #tpu.memory_space<vmem>>[vector<16xi32>], vector<16xi32>,
      %add3A_70 = arith.constant 1 : i32
      %add3A_71 = vector.broadcast %add3A_70 : i32 to vector<16xi32>
      %add3A_72 = arith.addi %mul3A_27, %add3A_71 : vector<16xi32>
      %gather3A_73 = tpu.vector_load_idx %arg9[%add3A_72] : memref<4096xi32, #tpu.memory_space<vmem>>[vector<16xi32>], vector<16xi32>,
      %add3A_74 = arith.constant 2 : i32
      %add3A_75 = vector.broadcast %add3A_74 : i32 to vector<16xi32>
      %add3A_76 = arith.addi %mul3A_27, %add3A_75 : vector<16xi32>
      %gather3A_77 = tpu.vector_load_idx %arg9[%add3A_76] : memref<4096xi32, #tpu.memory_space<vmem>>[vector<16xi32>], vector<16xi32>,
      %add3A_78 = arith.constant 3 : i32
      %add3A_79 = vector.broadcast %add3A_78 : i32 to vector<16xi32>
      %add3A_80 = arith.addi %mul3A_27, %add3A_79 : vector<16xi32>
      %gather3A_81 = tpu.vector_load_idx %arg9[%add3A_80] : memref<4096xi32, #tpu.memory_space<vmem>>[vector<16xi32>], vector<16xi32>,
      %add3A_82 = arith.constant 4 : i32
      %add3A_83 = vector.broadcast %add3A_82 : i32 to vector<16xi32>
      %add3A_84 = arith.addi %mul3A_27, %add3A_83 : vector<16xi32>
      %gather3A_85 = tpu.vector_load_idx %arg9[%add3A_84] : memref<4096xi32, #tpu.memory_space<vmem>>[vector<16xi32>], vector<16xi32>,
      %add3A_86 = arith.constant 5 : i32
      %add3A_87 = vector.broadcast %add3A_86 : i32 to vector<16xi32>
      %add3A_88 = arith.addi %mul3A_27, %add3A_87 : vector<16xi32>
      %gather3A_89 = tpu.vector_load_idx %arg9[%add3A_88] : memref<4096xi32, #tpu.memory_space<vmem>>[vector<16xi32>], vector<16xi32>,
      %add3A_90 = arith.constant 6 : i32
      %add3A_91 = vector.broadcast %add3A_90 : i32 to vector<16xi32>
      %add3A_92 = arith.addi %mul3A_27, %add3A_91 : vector<16xi32>
      %gather3A_93 = tpu.vector_load_idx %arg9[%add3A_92] : memref<4096xi32, #tpu.memory_space<vmem>>[vector<16xi32>], vector<16xi32>,
      %add3A_94 = arith.constant 7 : i32
      %add3A_95 = vector.broadcast %add3A_94 : i32 to vector<16xi32>
      %add3A_96 = arith.addi %mul3A_27, %add3A_95 : vector<16xi32>
      %gather3A_97 = tpu.vector_load_idx %arg9[%add3A_96] : memref<4096xi32, #tpu.memory_space<vmem>>[vector<16xi32>], vector<16xi32>,
      %add3A_98 = arith.constant 0 : i32
      %add3A_99 = vector.broadcast %add3A_98 : i32 to vector<16xi32>
      %add3A_100 = arith.addi %mul3A_27, %add3A_99 : vector<16xi32>
      %gather3A_101 = tpu.vector_load_idx %arg10[%add3A_100] : memref<4096xf32, #tpu.memory_space<vmem>>[vector<16xi32>], vector<16xf32>,
      %add3A_102 = arith.constant 1 : i32
      %add3A_103 = vector.broadcast %add3A_102 : i32 to vector<16xi32>
      %add3A_104 = arith.addi %mul3A_27, %add3A_103 : vector<16xi32>
      %gather3A_105 = tpu.vector_load_idx %arg10[%add3A_104] : memref<4096xf32, #tpu.memory_space<vmem>>[vector<16xi32>], vector<16xf32>,
      %add3A_106 = arith.constant 2 : i32
      %add3A_107 = vector.broadcast %add3A_106 : i32 to vector<16xi32>
      %add3A_108 = arith.addi %mul3A_27, %add3A_107 : vector<16xi32>
      %gather3A_109 = tpu.vector_load_idx %arg10[%add3A_108] : memref<4096xf32, #tpu.memory_space<vmem>>[vector<16xi32>], vector<16xf32>,
      %add3A_110 = arith.constant 3 : i32
      %add3A_111 = vector.broadcast %add3A_110 : i32 to vector<16xi32>
      %add3A_112 = arith.addi %mul3A_27, %add3A_111 : vector<16xi32>
      %gather3A_113 = tpu.vector_load_idx %arg10[%add3A_112] : memref<4096xf32, #tpu.memory_space<vmem>>[vector<16xi32>], vector<16xf32>,
      %add3A_114 = arith.constant 4 : i32
      %add3A_115 = vector.broadcast %add3A_114 : i32 to vector<16xi32>
      %add3A_116 = arith.addi %mul3A_27, %add3A_115 : vector<16xi32>
      %gather3A_117 = tpu.vector_load_idx %arg10[%add3A_116] : memref<4096xf32, #tpu.memory_space<vmem>>[vector<16xi32>], vector<16xf32>,
      %add3A_118 = arith.constant 5 : i32
      %add3A_119 = vector.broadcast %add3A_118 : i32 to vector<16xi32>
      %add3A_120 = arith.addi %mul3A_27, %add3A_119 : vector<16xi32>
      %gather3A_121 = tpu.vector_load_idx %arg10[%add3A_120] : memref<4096xf32, #tpu.memory_space<vmem>>[vector<16xi32>], vector<16xf32>,
      %add3A_122 = arith.constant 6 : i32
      %add3A_123 = vector.broadcast %add3A_122 : i32 to vector<16xi32>
      %add3A_124 = arith.addi %mul3A_27, %add3A_123 : vector<16xi32>
      %gather3A_125 = tpu.vector_load_idx %arg10[%add3A_124] : memref<4096xf32, #tpu.memory_space<vmem>>[vector<16xi32>], vector<16xf32>,
      %add3A_126 = arith.constant 7 : i32
      %add3A_127 = vector.broadcast %add3A_126 : i32 to vector<16xi32>
      %add3A_128 = arith.addi %mul3A_27, %add3A_127 : vector<16xi32>
      %gather3A_129 = tpu.vector_load_idx %arg10[%add3A_128] : memref<4096xf32, #tpu.memory_space<vmem>>[vector<16xi32>], vector<16xf32>,
      %sub3A = arith.subf %gather3A, %gather3A : vector<16xf32>
      %exp3A = math.exp %sub3A : vector<16xf32>
      %sub3A_130 = arith.subf %gather3A_41, %gather3A : vector<16xf32>
      %exp3A_131 = math.exp %sub3A_130 : vector<16xf32>
      %sub3A_132 = arith.subf %gather3A_45, %gather3A : vector<16xf32>
      %exp3A_133 = math.exp %sub3A_132 : vector<16xf32>
      %sub3A_134 = arith.subf %gather3A_49, %gather3A : vector<16xf32>
      %exp3A_135 = math.exp %sub3A_134 : vector<16xf32>
      %sub3A_136 = arith.subf %gather3A_53, %gather3A : vector<16xf32>
      %exp3A_137 = math.exp %sub3A_136 : vector<16xf32>
      %sub3A_138 = arith.subf %gather3A_57, %gather3A : vector<16xf32>
      %exp3A_139 = math.exp %sub3A_138 : vector<16xf32>
      %sub3A_140 = arith.subf %gather3A_61, %gather3A : vector<16xf32>
      %exp3A_141 = math.exp %sub3A_140 : vector<16xf32>
      %sub3A_142 = arith.subf %gather3A_65, %gather3A : vector<16xf32>
      %exp3A_143 = math.exp %sub3A_142 : vector<16xf32>
      %add3A_144 = arith.addf %exp3A, %exp3A_131 : vector<16xf32>
      %add3A_145 = arith.addf %add3A_144, %exp3A_133 : vector<16xf32>
      %add3A_146 = arith.addf %add3A_145, %exp3A_135 : vector<16xf32>
      %add3A_147 = arith.addf %add3A_146, %exp3A_137 : vector<16xf32>
      %add3A_148 = arith.addf %add3A_147, %exp3A_139 : vector<16xf32>
      %add3A_149 = arith.addf %add3A_148, %exp3A_141 : vector<16xf32>
      %add3A_150 = arith.addf %add3A_149, %exp3A_143 : vector<16xf32>
      %div3A = arith.constant 1.000000e+00 : f32
      %div3A_151 = vector.broadcast %div3A : f32 to vector<16xf32>
      %div3A_152 = arith.divf %div3A_151, %add3A_150 : vector<16xf32>
      %broadcast_in_dim3A = arith.constant 0.000000e+00 : f32
      %broadcast_in_dim3A_153 = vector.broadcast %broadcast_in_dim3A : f32 to vector<16xf32>
      %mul3A_154 = arith.mulf %exp3A, %div3A_152 : vector<16xf32>
      %add3A_155 = arith.addi %mul3A_32, %gather3A_69 : vector<16xi32>
      tpu.vector_store_idx %arg12[%add3A_155], %mul3A_154 : memref<32768xf32, #tpu.memory_space<vmem>>[vector<16xi32>], vector<16xf32>,
      %mul3A_156 = arith.mulf %mul3A_154, %gather3A_101 : vector<16xf32>
      %add3A_157 = arith.addf %broadcast_in_dim3A_153, %mul3A_156 : vector<16xf32>
      %mul3A_158 = arith.mulf %exp3A_131, %div3A_152 : vector<16xf32>
      %add3A_159 = arith.addi %mul3A_32, %gather3A_73 : vector<16xi32>
      tpu.vector_store_idx %arg12[%add3A_159], %mul3A_158 : memref<32768xf32, #tpu.memory_space<vmem>>[vector<16xi32>], vector<16xf32>,
      %mul3A_160 = arith.mulf %mul3A_158, %gather3A_105 : vector<16xf32>
      %add3A_161 = arith.addf %add3A_157, %mul3A_160 : vector<16xf32>
      %mul3A_162 = arith.mulf %exp3A_133, %div3A_152 : vector<16xf32>
      %add3A_163 = arith.addi %mul3A_32, %gather3A_77 : vector<16xi32>
      tpu.vector_store_idx %arg12[%add3A_163], %mul3A_162 : memref<32768xf32, #tpu.memory_space<vmem>>[vector<16xi32>], vector<16xf32>,
      %mul3A_164 = arith.mulf %mul3A_162, %gather3A_109 : vector<16xf32>
      %add3A_165 = arith.addf %add3A_161, %mul3A_164 : vector<16xf32>
      %mul3A_166 = arith.mulf %exp3A_135, %div3A_152 : vector<16xf32>
      %add3A_167 = arith.addi %mul3A_32, %gather3A_81 : vector<16xi32>
      tpu.vector_store_idx %arg12[%add3A_167], %mul3A_166 : memref<32768xf32, #tpu.memory_space<vmem>>[vector<16xi32>], vector<16xf32>,
      %mul3A_168 = arith.mulf %mul3A_166, %gather3A_113 : vector<16xf32>
      %add3A_169 = arith.addf %add3A_165, %mul3A_168 : vector<16xf32>
      %mul3A_170 = arith.mulf %exp3A_137, %div3A_152 : vector<16xf32>
      %add3A_171 = arith.addi %mul3A_32, %gather3A_85 : vector<16xi32>
      tpu.vector_store_idx %arg12[%add3A_171], %mul3A_170 : memref<32768xf32, #tpu.memory_space<vmem>>[vector<16xi32>], vector<16xf32>,
      %mul3A_172 = arith.mulf %mul3A_170, %gather3A_117 : vector<16xf32>
      %add3A_173 = arith.addf %add3A_169, %mul3A_172 : vector<16xf32>
      %mul3A_174 = arith.mulf %exp3A_139, %div3A_152 : vector<16xf32>
      %add3A_175 = arith.addi %mul3A_32, %gather3A_89 : vector<16xi32>
      tpu.vector_store_idx %arg12[%add3A_175], %mul3A_174 : memref<32768xf32, #tpu.memory_space<vmem>>[vector<16xi32>], vector<16xf32>,
      %mul3A_176 = arith.mulf %mul3A_174, %gather3A_121 : vector<16xf32>
      %add3A_177 = arith.addf %add3A_173, %mul3A_176 : vector<16xf32>
      %mul3A_178 = arith.mulf %exp3A_141, %div3A_152 : vector<16xf32>
      %add3A_179 = arith.addi %mul3A_32, %gather3A_93 : vector<16xi32>
      tpu.vector_store_idx %arg12[%add3A_179], %mul3A_178 : memref<32768xf32, #tpu.memory_space<vmem>>[vector<16xi32>], vector<16xf32>,
      %mul3A_180 = arith.mulf %mul3A_178, %gather3A_125 : vector<16xf32>
      %add3A_181 = arith.addf %add3A_177, %mul3A_180 : vector<16xf32>
      %mul3A_182 = arith.mulf %exp3A_143, %div3A_152 : vector<16xf32>
      %add3A_183 = arith.addi %mul3A_32, %gather3A_97 : vector<16xi32>
      tpu.vector_store_idx %arg12[%add3A_183], %mul3A_182 : memref<32768xf32, #tpu.memory_space<vmem>>[vector<16xi32>], vector<16xf32>,
      %mul3A_184 = arith.mulf %mul3A_182, %gather3A_129 : vector<16xf32>
      %add3A_185 = arith.addf %add3A_181, %mul3A_184 : vector<16xf32>
      %add3A_186 = arith.addf %get3A_34, %add3A_185 : vector<16xf32>
      %swap3A = arith.index_cast %mul3A_22 : i32 to index
      %swap3A_187 = tpu.vector_load %arg13[%swap3A] {strides = array<i32>} : memref<512xf32, #tpu.memory_space<vmem>>, vector<16xf32>,
      tpu.vector_store %arg13[%swap3A], %add3A_186 {strides = array<i32>} : memref<512xf32, #tpu.memory_space<vmem>>, vector<16xf32>,
      %scan3A_188 = arith.constant 0 : i32
      scf.yield %scan3A_188 : i32
    }
    %scan3A_16 = arith.constant 32 : i32
    %mul3A_17 = arith.constant 64 : i32
    %mul3A_18 = arith.muli %mul3A_2, %mul3A_17 : i32
    "tpu.region"() ({
      %run_scoped3A = tpu.sem_alloc : memref<!tpu.dma_semaphore, #tpu.memory_space<semaphore_mem>>
      %dma_start3A = tpu.memref_slice %arg6[%mul3A_18] : memref<1048576xf32, #tpu.memory_space<hbm>> -> memref<32768xf32, #tpu.memory_space<hbm>>
      %dma_start3A_19 = tpu.memref_slice %arg6[%mul3A_18] : memref<1048576xf32, #tpu.memory_space<hbm>> -> memref<32768xf32, #tpu.memory_space<hbm>>
      tpu.enqueue_dma source(%arg12 : memref<32768xf32, #tpu.memory_space<vmem>>) target(%dma_start3A_19 : memref<32768xf32, #tpu.memory_space<hbm>>) target_semaphore(%run_scoped3A : memref<!tpu.dma_semaphore, #tpu.memory_space<semaphore_mem>>)
      %dma_wait3A = tpu.memref_slice %arg6[%mul3A_18] : memref<1048576xf32, #tpu.memory_space<hbm>> -> memref<32768xf32, #tpu.memory_space<hbm>>
      %dma_wait3A_20 = tpu.memref_slice %arg6[%mul3A_18] : memref<1048576xf32, #tpu.memory_space<hbm>> -> memref<32768xf32, #tpu.memory_space<hbm>>
      tpu.wait_dma2 semaphore(%run_scoped3A : memref<!tpu.dma_semaphore, #tpu.memory_space<semaphore_mem>>) src(%arg12 : memref<32768xf32, #tpu.memory_space<vmem>>) dst(%dma_wait3A_20 : memref<32768xf32, #tpu.memory_space<hbm>>)
      tpu.yield
    }) : () -> ()
    "tpu.region"() ({
      %run_scoped3A = tpu.sem_alloc : memref<!tpu.dma_semaphore, #tpu.memory_space<semaphore_mem>>
      %dma_start3A = tpu.memref_slice %arg7[%mul3A_2] : memref<16384xf32, #tpu.memory_space<hbm>> -> memref<512xf32, #tpu.memory_space<hbm>>
      %dma_start3A_19 = tpu.memref_slice %arg7[%mul3A_2] : memref<16384xf32, #tpu.memory_space<hbm>> -> memref<512xf32, #tpu.memory_space<hbm>>
      tpu.enqueue_dma source(%arg13 : memref<512xf32, #tpu.memory_space<vmem>>) target(%dma_start3A_19 : memref<512xf32, #tpu.memory_space<hbm>>) target_semaphore(%run_scoped3A : memref<!tpu.dma_semaphore, #tpu.memory_space<semaphore_mem>>)
      %dma_wait3A = tpu.memref_slice %arg7[%mul3A_2] : memref<16384xf32, #tpu.memory_space<hbm>> -> memref<512xf32, #tpu.memory_space<hbm>>
      %dma_wait3A_20 = tpu.memref_slice %arg7[%mul3A_2] : memref<16384xf32, #tpu.memory_space<hbm>> -> memref<512xf32, #tpu.memory_space<hbm>>
      tpu.wait_dma2 semaphore(%run_scoped3A : memref<!tpu.dma_semaphore, #tpu.memory_space<semaphore_mem>>) src(%arg13 : memref<512xf32, #tpu.memory_space<vmem>>) dst(%dma_wait3A_20 : memref<512xf32, #tpu.memory_space<hbm>>)
      tpu.yield
    }) : () -> ()
    return
  }
}

module attributes {stable_mosaic.version = 14 : i64} {
  func.func @_dense_body(%arg0: i32, %arg1: memref<16x64xf32, #tpu.memory_space<vmem>>, %arg2: memref<64x24xf32, #tpu.memory_space<vmem>>, %arg3: memref<1x64xf32, #tpu.memory_space<vmem>>, %arg4: memref<32x54xf32, #tpu.memory_space<vmem>>, %arg5: memref<32x1xf32, #tpu.memory_space<vmem>>, %arg6: memref<32x32xf32, #tpu.memory_space<vmem>>, %arg7: memref<32x1xf32, #tpu.memory_space<vmem>>, %arg8: memref<32x1xf32, #tpu.memory_space<vmem>>, %arg9: memref<1x8192xf32, #tpu.memory_space<vmem>>, %arg10: memref<24x25xf32, #tpu.memory_space<vmem>>, %arg11: memref<1x24xf32, #tpu.memory_space<vmem>>, %arg12: memref<24x25xf32, #tpu.memory_space<vmem>>, %arg13: memref<1x24xf32, #tpu.memory_space<vmem>>, %arg14: memref<1024x8xf32, #tpu.memory_space<vmem>>, %arg15: memref<1024x8xi32, #tpu.memory_space<vmem>>, %arg16: memref<1x1x8192xf32, #tpu.memory_space<vmem>>) attributes {dimension_semantics = [#tpu.dimension_semantics<arbitrary>], iteration_bounds = array<i64: 16>, scalar_prefetch = 0 : i64, scratch_operands = 0 : i64, tpu.core_type = #tpu.core_type<tc>, window_params = [{transform_indices = @transform_0, window_bounds = array<i64: 16, 64>}, {pipeline_mode = #tpu.pipeline_mode<synchronous>, transform_indices = @transform_1, window_bounds = array<i64: 64, 24>}, {pipeline_mode = #tpu.pipeline_mode<synchronous>, transform_indices = @transform_2, window_bounds = array<i64: 1, 64>}, {pipeline_mode = #tpu.pipeline_mode<synchronous>, transform_indices = @transform_3, window_bounds = array<i64: 32, 54>}, {pipeline_mode = #tpu.pipeline_mode<synchronous>, transform_indices = @transform_4, window_bounds = array<i64: 32, 1>}, {pipeline_mode = #tpu.pipeline_mode<synchronous>, transform_indices = @transform_5, window_bounds = array<i64: 32, 32>}, {pipeline_mode = #tpu.pipeline_mode<synchronous>, transform_indices = @transform_6, window_bounds = array<i64: 32, 1>}, {pipeline_mode = #tpu.pipeline_mode<synchronous>, transform_indices = @transform_7, window_bounds = array<i64: 32, 1>}, {pipeline_mode = #tpu.pipeline_mode<synchronous>, transform_indices = @transform_8, window_bounds = array<i64: 1, 8192>}, {pipeline_mode = #tpu.pipeline_mode<synchronous>, transform_indices = @transform_9, window_bounds = array<i64: 24, 25>}, {pipeline_mode = #tpu.pipeline_mode<synchronous>, transform_indices = @transform_10, window_bounds = array<i64: 1, 24>}, {pipeline_mode = #tpu.pipeline_mode<synchronous>, transform_indices = @transform_11, window_bounds = array<i64: 24, 25>}, {pipeline_mode = #tpu.pipeline_mode<synchronous>, transform_indices = @transform_12, window_bounds = array<i64: 1, 24>}, {transform_indices = @transform_13, window_bounds = array<i64: 1024, 8>}, {transform_indices = @transform_14, window_bounds = array<i64: 1024, 8>}, {transform_indices = @transform_15, window_bounds = array<i64: 1, 1, 8192>}]} {
    %get3A = arith.constant 0 : index
    %get3A_0 = arith.constant 0 : index
    %get3A_1 = vector.load %arg1[%get3A, %get3A_0] : memref<16x64xf32, #tpu.memory_space<vmem>>, vector<16x64xf32>
    %get3A_2 = arith.constant 0 : index
    %get3A_3 = arith.constant 0 : index
    %get3A_4 = vector.load %arg2[%get3A_2, %get3A_3] : memref<64x24xf32, #tpu.memory_space<vmem>>, vector<64x24xf32>
    %get3A_5 = arith.constant 0 : index
    %get3A_6 = arith.constant 0 : index
    %get3A_7 = vector.load %arg3[%get3A_5, %get3A_6] : memref<1x64xf32, #tpu.memory_space<vmem>>, vector<1x64xf32>
    %get3A_8 = arith.constant 0 : index
    %get3A_9 = arith.constant 0 : index
    %get3A_10 = vector.load %arg4[%get3A_8, %get3A_9] : memref<32x54xf32, #tpu.memory_space<vmem>>, vector<32x54xf32>
    %get3A_11 = arith.constant 0 : index
    %get3A_12 = arith.constant 0 : index
    %get3A_13 = vector.load %arg5[%get3A_11, %get3A_12] : memref<32x1xf32, #tpu.memory_space<vmem>>, vector<32x1xf32>
    %get3A_14 = arith.constant 0 : index
    %get3A_15 = arith.constant 0 : index
    %get3A_16 = vector.load %arg6[%get3A_14, %get3A_15] : memref<32x32xf32, #tpu.memory_space<vmem>>, vector<32x32xf32>
    %get3A_17 = arith.constant 0 : index
    %get3A_18 = arith.constant 0 : index
    %get3A_19 = vector.load %arg7[%get3A_17, %get3A_18] : memref<32x1xf32, #tpu.memory_space<vmem>>, vector<32x1xf32>
    %get3A_20 = arith.constant 0 : index
    %get3A_21 = arith.constant 0 : index
    %get3A_22 = vector.load %arg8[%get3A_20, %get3A_21] : memref<32x1xf32, #tpu.memory_space<vmem>>, vector<32x1xf32>
    %get3A_23 = arith.constant 0 : index
    %get3A_24 = arith.constant 0 : index
    %get3A_25 = vector.load %arg9[%get3A_23, %get3A_24] : memref<1x8192xf32, #tpu.memory_space<vmem>>, vector<1x8192xf32>
    %get3A_26 = arith.constant 0 : index
    %get3A_27 = arith.constant 0 : index
    %get3A_28 = vector.load %arg10[%get3A_26, %get3A_27] : memref<24x25xf32, #tpu.memory_space<vmem>>, vector<24x25xf32>
    %get3A_29 = arith.constant 0 : index
    %get3A_30 = arith.constant 0 : index
    %get3A_31 = vector.load %arg11[%get3A_29, %get3A_30] : memref<1x24xf32, #tpu.memory_space<vmem>>, vector<1x24xf32>
    %get3A_32 = arith.constant 0 : index
    %get3A_33 = arith.constant 0 : index
    %get3A_34 = vector.load %arg12[%get3A_32, %get3A_33] : memref<24x25xf32, #tpu.memory_space<vmem>>, vector<24x25xf32>
    %get3A_35 = arith.constant 0 : index
    %get3A_36 = arith.constant 0 : index
    %get3A_37 = vector.load %arg13[%get3A_35, %get3A_36] : memref<1x24xf32, #tpu.memory_space<vmem>>, vector<1x24xf32>
    %broadcast_in_dim3A = vector.shape_cast %get3A_1 : vector<16x64xf32> to vector<16x64x1xf32>
    %broadcast_in_dim3A_38 = vector.shape_cast %get3A_4 : vector<64x24xf32> to vector<1x64x24xf32>
    %broadcast_in_dim3A_39 = vector.shape_cast %broadcast_in_dim3A_38 : vector<1x64x24xf32> to vector<1x64x24xf32>
    %broadcast_in_dim3A_40 = vector.broadcast %broadcast_in_dim3A_39 : vector<1x64x24xf32> to vector<16x64x24xf32>
    %concatenate3A = tpu.concatenate %broadcast_in_dim3A, %broadcast_in_dim3A_40 in 2 : vector<16x64x1xf32>, vector<16x64x24xf32> -> vector<16x64x25xf32>
    %reshape3A = vector.shape_cast %concatenate3A : vector<16x64x25xf32> to vector<1024x25xf32>
    %dot_general3A = arith.constant dense<0.000000e+00> : vector<1024x24xf32>
    %dot_general3A_41 = tpu.matmul %reshape3A, %get3A_28, %dot_general3A {dimension_numbers = #tpu.dot_dimension_numbers<[1], [1], [0], [0], [0, 0, 1, 0], [], []>, transpose_lhs_hint = false} : vector<1024x25xf32>, vector<24x25xf32>, vector<1024x24xf32> -> vector<1024x24xf32>
    %add3A = vector.broadcast %get3A_31 : vector<1x24xf32> to vector<1024x24xf32>
    %add3A_42 = arith.addf %dot_general3A_41, %add3A : vector<1024x24xf32>
    %reshape3A_43 = vector.shape_cast %add3A_42 : vector<1024x24xf32> to vector<16x64x24xf32>
    %dot_general3A_44 = arith.constant dense<0.000000e+00> : vector<1024x24xf32>
    %dot_general3A_45 = tpu.matmul %reshape3A, %get3A_34, %dot_general3A_44 {dimension_numbers = #tpu.dot_dimension_numbers<[1], [1], [0], [0], [0, 0, 1, 0], [], []>, transpose_lhs_hint = false} : vector<1024x25xf32>, vector<24x25xf32>, vector<1024x24xf32> -> vector<1024x24xf32>
    %add3A_46 = vector.broadcast %get3A_37 : vector<1x24xf32> to vector<1024x24xf32>
    %add3A_47 = arith.addf %dot_general3A_45, %add3A_46 : vector<1024x24xf32>
    %reshape3A_48 = vector.shape_cast %add3A_47 : vector<1024x24xf32> to vector<16x64x24xf32>
    %dot_general3A_49 = arith.constant dense<0.000000e+00> : vector<16x64x64xf32>
    %dot_general3A_50 = tpu.matmul %reshape3A_43, %reshape3A_48, %dot_general3A_49 {dimension_numbers = #tpu.dot_dimension_numbers<[2], [2], [1], [1], [0, 0, 0, 1, 1, 1], [0], [0]>, transpose_lhs_hint = false} : vector<16x64x24xf32>, vector<16x64x24xf32>, vector<16x64x64xf32> -> vector<16x64x64xf32>
    %div3A = arith.constant 4.89897966 : f32
    %div3A_51 = vector.broadcast %div3A : f32 to vector<16x64x64xf32>
    %div3A_52 = arith.divf %dot_general3A_50, %div3A_51 : vector<16x64x64xf32>
    %iota3A = tpu.iota {dimensions = array<i32: 2>} : vector<16x64x64xi32>
    %reduce_max3A = arith.constant dense<0xFF800000> : vector<16x64xf32>
    %reduce_max3A_53 = vector.multi_reduction <maximumf>, %div3A_52, %reduce_max3A [2] : vector<16x64x64xf32> to vector<16x64xf32>
    %broadcast_in_dim3A_54 = vector.shape_cast %reduce_max3A_53 : vector<16x64xf32> to vector<16x64x1xf32>
    %ge3A = vector.broadcast %broadcast_in_dim3A_54 : vector<16x64x1xf32> to vector<16x64x64xf32>
    %ge3A_55 = arith.cmpf oge, %div3A_52, %ge3A : vector<16x64x64xf32>
    %jit3A = arith.constant 64 : i32
    %broadcast_in_dim3A_56 = vector.broadcast %jit3A : i32 to vector<16x64x64xi32>
    %select_n3A = arith.select %ge3A_55, %iota3A, %broadcast_in_dim3A_56 : vector<16x64x64xi1>, vector<16x64x64xi32>
    %reduce_min3A = arith.constant dense<2147483647> : vector<16x64xi32>
    %reduce_min3A_57 = vector.multi_reduction <minsi>, %select_n3A, %reduce_min3A [2] : vector<16x64x64xi32> to vector<16x64xi32>
    %broadcast_in_dim3A_58 = vector.shape_cast %reduce_min3A_57 : vector<16x64xi32> to vector<16x64x1xi32>
    %eq3A = vector.broadcast %broadcast_in_dim3A_58 : vector<16x64x1xi32> to vector<16x64x64xi32>
    %eq3A_59 = arith.cmpi eq, %iota3A, %eq3A : vector<16x64x64xi32>
    %jit3A_60 = arith.constant -3.000000e+38 : f32
    %broadcast_in_dim3A_61 = vector.broadcast %jit3A_60 : f32 to vector<16x64x64xf32>
    %select_n3A_62 = arith.select %eq3A_59, %broadcast_in_dim3A_61, %div3A_52 : vector<16x64x64xi1>, vector<16x64x64xf32>
    %reduce_max3A_63 = arith.constant dense<0xFF800000> : vector<16x64xf32>
    %reduce_max3A_64 = vector.multi_reduction <maximumf>, %select_n3A_62, %reduce_max3A_63 [2] : vector<16x64x64xf32> to vector<16x64xf32>
    %broadcast_in_dim3A_65 = vector.shape_cast %reduce_max3A_64 : vector<16x64xf32> to vector<16x64x1xf32>
    %ge3A_66 = vector.broadcast %broadcast_in_dim3A_65 : vector<16x64x1xf32> to vector<16x64x64xf32>
    %ge3A_67 = arith.cmpf oge, %select_n3A_62, %ge3A_66 : vector<16x64x64xf32>
    %jit3A_68 = arith.constant 64 : i32
    %broadcast_in_dim3A_69 = vector.broadcast %jit3A_68 : i32 to vector<16x64x64xi32>
    %select_n3A_70 = arith.select %ge3A_67, %iota3A, %broadcast_in_dim3A_69 : vector<16x64x64xi1>, vector<16x64x64xi32>
    %reduce_min3A_71 = arith.constant dense<2147483647> : vector<16x64xi32>
    %reduce_min3A_72 = vector.multi_reduction <minsi>, %select_n3A_70, %reduce_min3A_71 [2] : vector<16x64x64xi32> to vector<16x64xi32>
    %broadcast_in_dim3A_73 = vector.shape_cast %reduce_min3A_72 : vector<16x64xi32> to vector<16x64x1xi32>
    %eq3A_74 = vector.broadcast %broadcast_in_dim3A_73 : vector<16x64x1xi32> to vector<16x64x64xi32>
    %eq3A_75 = arith.cmpi eq, %iota3A, %eq3A_74 : vector<16x64x64xi32>
    %jit3A_76 = arith.constant -3.000000e+38 : f32
    %broadcast_in_dim3A_77 = vector.broadcast %jit3A_76 : f32 to vector<16x64x64xf32>
    %select_n3A_78 = arith.select %eq3A_75, %broadcast_in_dim3A_77, %select_n3A_62 : vector<16x64x64xi1>, vector<16x64x64xf32>
    %reduce_max3A_79 = arith.constant dense<0xFF800000> : vector<16x64xf32>
    %reduce_max3A_80 = vector.multi_reduction <maximumf>, %select_n3A_78, %reduce_max3A_79 [2] : vector<16x64x64xf32> to vector<16x64xf32>
    %broadcast_in_dim3A_81 = vector.shape_cast %reduce_max3A_80 : vector<16x64xf32> to vector<16x64x1xf32>
    %ge3A_82 = vector.broadcast %broadcast_in_dim3A_81 : vector<16x64x1xf32> to vector<16x64x64xf32>
    %ge3A_83 = arith.cmpf oge, %select_n3A_78, %ge3A_82 : vector<16x64x64xf32>
    %jit3A_84 = arith.constant 64 : i32
    %broadcast_in_dim3A_85 = vector.broadcast %jit3A_84 : i32 to vector<16x64x64xi32>
    %select_n3A_86 = arith.select %ge3A_83, %iota3A, %broadcast_in_dim3A_85 : vector<16x64x64xi1>, vector<16x64x64xi32>
    %reduce_min3A_87 = arith.constant dense<2147483647> : vector<16x64xi32>
    %reduce_min3A_88 = vector.multi_reduction <minsi>, %select_n3A_86, %reduce_min3A_87 [2] : vector<16x64x64xi32> to vector<16x64xi32>
    %broadcast_in_dim3A_89 = vector.shape_cast %reduce_min3A_88 : vector<16x64xi32> to vector<16x64x1xi32>
    %eq3A_90 = vector.broadcast %broadcast_in_dim3A_89 : vector<16x64x1xi32> to vector<16x64x64xi32>
    %eq3A_91 = arith.cmpi eq, %iota3A, %eq3A_90 : vector<16x64x64xi32>
    %jit3A_92 = arith.constant -3.000000e+38 : f32
    %broadcast_in_dim3A_93 = vector.broadcast %jit3A_92 : f32 to vector<16x64x64xf32>
    %select_n3A_94 = arith.select %eq3A_91, %broadcast_in_dim3A_93, %select_n3A_78 : vector<16x64x64xi1>, vector<16x64x64xf32>
    %reduce_max3A_95 = arith.constant dense<0xFF800000> : vector<16x64xf32>
    %reduce_max3A_96 = vector.multi_reduction <maximumf>, %select_n3A_94, %reduce_max3A_95 [2] : vector<16x64x64xf32> to vector<16x64xf32>
    %broadcast_in_dim3A_97 = vector.shape_cast %reduce_max3A_96 : vector<16x64xf32> to vector<16x64x1xf32>
    %ge3A_98 = vector.broadcast %broadcast_in_dim3A_97 : vector<16x64x1xf32> to vector<16x64x64xf32>
    %ge3A_99 = arith.cmpf oge, %select_n3A_94, %ge3A_98 : vector<16x64x64xf32>
    %jit3A_100 = arith.constant 64 : i32
    %broadcast_in_dim3A_101 = vector.broadcast %jit3A_100 : i32 to vector<16x64x64xi32>
    %select_n3A_102 = arith.select %ge3A_99, %iota3A, %broadcast_in_dim3A_101 : vector<16x64x64xi1>, vector<16x64x64xi32>
    %reduce_min3A_103 = arith.constant dense<2147483647> : vector<16x64xi32>
    %reduce_min3A_104 = vector.multi_reduction <minsi>, %select_n3A_102, %reduce_min3A_103 [2] : vector<16x64x64xi32> to vector<16x64xi32>
    %broadcast_in_dim3A_105 = vector.shape_cast %reduce_min3A_104 : vector<16x64xi32> to vector<16x64x1xi32>
    %eq3A_106 = vector.broadcast %broadcast_in_dim3A_105 : vector<16x64x1xi32> to vector<16x64x64xi32>
    %eq3A_107 = arith.cmpi eq, %iota3A, %eq3A_106 : vector<16x64x64xi32>
    %jit3A_108 = arith.constant -3.000000e+38 : f32
    %broadcast_in_dim3A_109 = vector.broadcast %jit3A_108 : f32 to vector<16x64x64xf32>
    %select_n3A_110 = arith.select %eq3A_107, %broadcast_in_dim3A_109, %select_n3A_94 : vector<16x64x64xi1>, vector<16x64x64xf32>
    %reduce_max3A_111 = arith.constant dense<0xFF800000> : vector<16x64xf32>
    %reduce_max3A_112 = vector.multi_reduction <maximumf>, %select_n3A_110, %reduce_max3A_111 [2] : vector<16x64x64xf32> to vector<16x64xf32>
    %broadcast_in_dim3A_113 = vector.shape_cast %reduce_max3A_112 : vector<16x64xf32> to vector<16x64x1xf32>
    %ge3A_114 = vector.broadcast %broadcast_in_dim3A_113 : vector<16x64x1xf32> to vector<16x64x64xf32>
    %ge3A_115 = arith.cmpf oge, %select_n3A_110, %ge3A_114 : vector<16x64x64xf32>
    %jit3A_116 = arith.constant 64 : i32
    %broadcast_in_dim3A_117 = vector.broadcast %jit3A_116 : i32 to vector<16x64x64xi32>
    %select_n3A_118 = arith.select %ge3A_115, %iota3A, %broadcast_in_dim3A_117 : vector<16x64x64xi1>, vector<16x64x64xi32>
    %reduce_min3A_119 = arith.constant dense<2147483647> : vector<16x64xi32>
    %reduce_min3A_120 = vector.multi_reduction <minsi>, %select_n3A_118, %reduce_min3A_119 [2] : vector<16x64x64xi32> to vector<16x64xi32>
    %broadcast_in_dim3A_121 = vector.shape_cast %reduce_min3A_120 : vector<16x64xi32> to vector<16x64x1xi32>
    %eq3A_122 = vector.broadcast %broadcast_in_dim3A_121 : vector<16x64x1xi32> to vector<16x64x64xi32>
    %eq3A_123 = arith.cmpi eq, %iota3A, %eq3A_122 : vector<16x64x64xi32>
    %jit3A_124 = arith.constant -3.000000e+38 : f32
    %broadcast_in_dim3A_125 = vector.broadcast %jit3A_124 : f32 to vector<16x64x64xf32>
    %select_n3A_126 = arith.select %eq3A_123, %broadcast_in_dim3A_125, %select_n3A_110 : vector<16x64x64xi1>, vector<16x64x64xf32>
    %reduce_max3A_127 = arith.constant dense<0xFF800000> : vector<16x64xf32>
    %reduce_max3A_128 = vector.multi_reduction <maximumf>, %select_n3A_126, %reduce_max3A_127 [2] : vector<16x64x64xf32> to vector<16x64xf32>
    %broadcast_in_dim3A_129 = vector.shape_cast %reduce_max3A_128 : vector<16x64xf32> to vector<16x64x1xf32>
    %ge3A_130 = vector.broadcast %broadcast_in_dim3A_129 : vector<16x64x1xf32> to vector<16x64x64xf32>
    %ge3A_131 = arith.cmpf oge, %select_n3A_126, %ge3A_130 : vector<16x64x64xf32>
    %jit3A_132 = arith.constant 64 : i32
    %broadcast_in_dim3A_133 = vector.broadcast %jit3A_132 : i32 to vector<16x64x64xi32>
    %select_n3A_134 = arith.select %ge3A_131, %iota3A, %broadcast_in_dim3A_133 : vector<16x64x64xi1>, vector<16x64x64xi32>
    %reduce_min3A_135 = arith.constant dense<2147483647> : vector<16x64xi32>
    %reduce_min3A_136 = vector.multi_reduction <minsi>, %select_n3A_134, %reduce_min3A_135 [2] : vector<16x64x64xi32> to vector<16x64xi32>
    %broadcast_in_dim3A_137 = vector.shape_cast %reduce_min3A_136 : vector<16x64xi32> to vector<16x64x1xi32>
    %eq3A_138 = vector.broadcast %broadcast_in_dim3A_137 : vector<16x64x1xi32> to vector<16x64x64xi32>
    %eq3A_139 = arith.cmpi eq, %iota3A, %eq3A_138 : vector<16x64x64xi32>
    %jit3A_140 = arith.constant -3.000000e+38 : f32
    %broadcast_in_dim3A_141 = vector.broadcast %jit3A_140 : f32 to vector<16x64x64xf32>
    %select_n3A_142 = arith.select %eq3A_139, %broadcast_in_dim3A_141, %select_n3A_126 : vector<16x64x64xi1>, vector<16x64x64xf32>
    %reduce_max3A_143 = arith.constant dense<0xFF800000> : vector<16x64xf32>
    %reduce_max3A_144 = vector.multi_reduction <maximumf>, %select_n3A_142, %reduce_max3A_143 [2] : vector<16x64x64xf32> to vector<16x64xf32>
    %broadcast_in_dim3A_145 = vector.shape_cast %reduce_max3A_144 : vector<16x64xf32> to vector<16x64x1xf32>
    %ge3A_146 = vector.broadcast %broadcast_in_dim3A_145 : vector<16x64x1xf32> to vector<16x64x64xf32>
    %ge3A_147 = arith.cmpf oge, %select_n3A_142, %ge3A_146 : vector<16x64x64xf32>
    %jit3A_148 = arith.constant 64 : i32
    %broadcast_in_dim3A_149 = vector.broadcast %jit3A_148 : i32 to vector<16x64x64xi32>
    %select_n3A_150 = arith.select %ge3A_147, %iota3A, %broadcast_in_dim3A_149 : vector<16x64x64xi1>, vector<16x64x64xi32>
    %reduce_min3A_151 = arith.constant dense<2147483647> : vector<16x64xi32>
    %reduce_min3A_152 = vector.multi_reduction <minsi>, %select_n3A_150, %reduce_min3A_151 [2] : vector<16x64x64xi32> to vector<16x64xi32>
    %broadcast_in_dim3A_153 = vector.shape_cast %reduce_min3A_152 : vector<16x64xi32> to vector<16x64x1xi32>
    %eq3A_154 = vector.broadcast %broadcast_in_dim3A_153 : vector<16x64x1xi32> to vector<16x64x64xi32>
    %eq3A_155 = arith.cmpi eq, %iota3A, %eq3A_154 : vector<16x64x64xi32>
    %jit3A_156 = arith.constant -3.000000e+38 : f32
    %broadcast_in_dim3A_157 = vector.broadcast %jit3A_156 : f32 to vector<16x64x64xf32>
    %select_n3A_158 = arith.select %eq3A_155, %broadcast_in_dim3A_157, %select_n3A_142 : vector<16x64x64xi1>, vector<16x64x64xf32>
    %reduce_max3A_159 = arith.constant dense<0xFF800000> : vector<16x64xf32>
    %reduce_max3A_160 = vector.multi_reduction <maximumf>, %select_n3A_158, %reduce_max3A_159 [2] : vector<16x64x64xf32> to vector<16x64xf32>
    %broadcast_in_dim3A_161 = vector.shape_cast %reduce_max3A_160 : vector<16x64xf32> to vector<16x64x1xf32>
    %ge3A_162 = vector.broadcast %broadcast_in_dim3A_161 : vector<16x64x1xf32> to vector<16x64x64xf32>
    %ge3A_163 = arith.cmpf oge, %select_n3A_158, %ge3A_162 : vector<16x64x64xf32>
    %jit3A_164 = arith.constant 64 : i32
    %broadcast_in_dim3A_165 = vector.broadcast %jit3A_164 : i32 to vector<16x64x64xi32>
    %select_n3A_166 = arith.select %ge3A_163, %iota3A, %broadcast_in_dim3A_165 : vector<16x64x64xi1>, vector<16x64x64xi32>
    %reduce_min3A_167 = arith.constant dense<2147483647> : vector<16x64xi32>
    %reduce_min3A_168 = vector.multi_reduction <minsi>, %select_n3A_166, %reduce_min3A_167 [2] : vector<16x64x64xi32> to vector<16x64xi32>
    %stack3A = vector.shape_cast %reduce_max3A_53 : vector<16x64xf32> to vector<16x64x1xf32>
    %stack3A_169 = vector.shape_cast %reduce_max3A_64 : vector<16x64xf32> to vector<16x64x1xf32>
    %stack3A_170 = vector.shape_cast %reduce_max3A_80 : vector<16x64xf32> to vector<16x64x1xf32>
    %stack3A_171 = vector.shape_cast %reduce_max3A_96 : vector<16x64xf32> to vector<16x64x1xf32>
    %stack3A_172 = vector.shape_cast %reduce_max3A_112 : vector<16x64xf32> to vector<16x64x1xf32>
    %stack3A_173 = vector.shape_cast %reduce_max3A_128 : vector<16x64xf32> to vector<16x64x1xf32>
    %stack3A_174 = vector.shape_cast %reduce_max3A_144 : vector<16x64xf32> to vector<16x64x1xf32>
    %stack3A_175 = vector.shape_cast %reduce_max3A_160 : vector<16x64xf32> to vector<16x64x1xf32>
    %stack3A_176 = tpu.concatenate %stack3A, %stack3A_169, %stack3A_170, %stack3A_171, %stack3A_172, %stack3A_173, %stack3A_174, %stack3A_175 in 2 : vector<16x64x1xf32>, vector<16x64x1xf32>, vector<16x64x1xf32>, vector<16x64x1xf32>, vector<16x64x1xf32>, vector<16x64x1xf32>, vector<16x64x1xf32>, vector<16x64x1xf32> -> vector<16x64x8xf32>
    %reshape3A_177 = vector.shape_cast %stack3A_176 : vector<16x64x8xf32> to vector<1024x8xf32>
    %swap3A = arith.constant 0 : index
    %swap3A_178 = arith.constant 0 : index
    %swap3A_179 = vector.load %arg14[%swap3A, %swap3A_178] : memref<1024x8xf32, #tpu.memory_space<vmem>>, vector<1024x8xf32>
    tpu.vector_store %arg14[%swap3A, %swap3A_178], %reshape3A_177 {strides = array<i32>} : memref<1024x8xf32, #tpu.memory_space<vmem>>, vector<1024x8xf32>,
    %stack3A_180 = vector.shape_cast %reduce_min3A_57 : vector<16x64xi32> to vector<16x64x1xi32>
    %stack3A_181 = vector.shape_cast %reduce_min3A_72 : vector<16x64xi32> to vector<16x64x1xi32>
    %stack3A_182 = vector.shape_cast %reduce_min3A_88 : vector<16x64xi32> to vector<16x64x1xi32>
    %stack3A_183 = vector.shape_cast %reduce_min3A_104 : vector<16x64xi32> to vector<16x64x1xi32>
    %stack3A_184 = vector.shape_cast %reduce_min3A_120 : vector<16x64xi32> to vector<16x64x1xi32>
    %stack3A_185 = vector.shape_cast %reduce_min3A_136 : vector<16x64xi32> to vector<16x64x1xi32>
    %stack3A_186 = vector.shape_cast %reduce_min3A_152 : vector<16x64xi32> to vector<16x64x1xi32>
    %stack3A_187 = vector.shape_cast %reduce_min3A_168 : vector<16x64xi32> to vector<16x64x1xi32>
    %stack3A_188 = tpu.concatenate %stack3A_180, %stack3A_181, %stack3A_182, %stack3A_183, %stack3A_184, %stack3A_185, %stack3A_186, %stack3A_187 in 2 : vector<16x64x1xi32>, vector<16x64x1xi32>, vector<16x64x1xi32>, vector<16x64x1xi32>, vector<16x64x1xi32>, vector<16x64x1xi32>, vector<16x64x1xi32>, vector<16x64x1xi32> -> vector<16x64x8xi32>
    %reshape3A_189 = vector.shape_cast %stack3A_188 : vector<16x64x8xi32> to vector<1024x8xi32>
    %swap3A_190 = arith.constant 0 : index
    %swap3A_191 = arith.constant 0 : index
    %swap3A_192 = vector.load %arg15[%swap3A_190, %swap3A_191] : memref<1024x8xi32, #tpu.memory_space<vmem>>, vector<1024x8xi32>
    tpu.vector_store %arg15[%swap3A_190, %swap3A_191], %reshape3A_189 {strides = array<i32>} : memref<1024x8xi32, #tpu.memory_space<vmem>>, vector<1024x8xi32>,
    %custom_jvp_call3A = arith.constant 0.000000e+00 : f32
    %max3A = vector.broadcast %custom_jvp_call3A : f32 to vector<1x64xf32>
    %max3A_193 = arith.maximumf %get3A_7, %max3A : vector<1x64xf32>
    %sub3A = vector.broadcast %custom_jvp_call3A : f32 to vector<1x64xf32>
    %sub3A_194 = arith.subf %get3A_7, %sub3A : vector<1x64xf32>
    %ne3A = arith.cmpf one, %sub3A_194, %sub3A_194 : vector<1x64xf32>
    %add3A_195 = vector.broadcast %custom_jvp_call3A : f32 to vector<1x64xf32>
    %add3A_196 = arith.addf %get3A_7, %add3A_195 : vector<1x64xf32>
    %abs3A = math.absf %sub3A_194 : vector<1x64xf32>
    %neg3A = arith.constant 0.000000e+00 : f32
    %neg3A_197 = vector.broadcast %neg3A : f32 to vector<1x64xf32>
    %neg3A_198 = arith.subf %neg3A_197, %abs3A : vector<1x64xf32>
    %exp3A = math.exp %neg3A_198 : vector<1x64xf32>
    %log1p3A = math.log1p %exp3A : vector<1x64xf32>
    %add3A_199 = arith.addf %max3A_193, %log1p3A : vector<1x64xf32>
    %select_n3A_200 = arith.select %ne3A, %add3A_196, %add3A_199 : vector<1x64xi1>, vector<1x64xf32>
    %add3A_201 = arith.constant 0.00999999977 : f32
    %add3A_202 = vector.broadcast %add3A_201 : f32 to vector<1x64xf32>
    %add3A_203 = arith.addf %select_n3A_200, %add3A_202 : vector<1x64xf32>
    %mul3A = vector.broadcast %add3A_203 : vector<1x64xf32> to vector<16x64xf32>
    %mul3A_204 = arith.mulf %mul3A, %get3A_1 : vector<16x64xf32>
    %add3A_205 = arith.constant 1.000000e+00 : f32
    %add3A_206 = vector.broadcast %add3A_205 : f32 to vector<16x64xf32>
    %add3A_207 = arith.addf %add3A_206, %mul3A_204 : vector<16x64xf32>
    %div3A_208 = arith.divf %get3A_1, %add3A_207 : vector<16x64xf32>
    %slice3A = vector.extract_strided_slice %get3A_10 {offsets = [0, 0], sizes = [32, 1], strides = [1, 1]} : vector<32x54xf32> to vector<32x1xf32>
    %slice3A_209 = vector.extract_strided_slice %get3A_10 {offsets = [0, 1], sizes = [32, 1], strides = [1, 1]} : vector<32x54xf32> to vector<32x1xf32>
    %slice3A_210 = vector.extract_strided_slice %get3A_10 {offsets = [0, 2], sizes = [32, 24], strides = [1, 1]} : vector<32x54xf32> to vector<32x24xf32>
    %slice3A_211 = vector.extract_strided_slice %get3A_10 {offsets = [0, 26], sizes = [32, 24], strides = [1, 1]} : vector<32x54xf32> to vector<32x24xf32>
    %slice3A_212 = vector.extract_strided_slice %get3A_10 {offsets = [0, 50], sizes = [32, 1], strides = [1, 1]} : vector<32x54xf32> to vector<32x1xf32>
    %slice3A_213 = vector.extract_strided_slice %get3A_10 {offsets = [0, 51], sizes = [32, 1], strides = [1, 1]} : vector<32x54xf32> to vector<32x1xf32>
    %slice3A_214 = vector.extract_strided_slice %get3A_10 {offsets = [0, 52], sizes = [32, 1], strides = [1, 1]} : vector<32x54xf32> to vector<32x1xf32>
    %slice3A_215 = vector.extract_strided_slice %get3A_10 {offsets = [0, 53], sizes = [32, 1], strides = [1, 1]} : vector<32x54xf32> to vector<32x1xf32>
    %dot_general3A_216 = arith.constant dense<0.000000e+00> : vector<32x64xf32>
    %dot_general3A_217 = tpu.matmul %slice3A_210, %get3A_4, %dot_general3A_216 {dimension_numbers = #tpu.dot_dimension_numbers<[1], [1], [0], [0], [0, 0, 1, 0], [], []>, transpose_lhs_hint = false} : vector<32x24xf32>, vector<64x24xf32>, vector<32x64xf32> -> vector<32x64xf32>
    %dot_general3A_218 = arith.constant dense<0.000000e+00> : vector<32x64xf32>
    %dot_general3A_219 = tpu.matmul %slice3A_211, %get3A_4, %dot_general3A_218 {dimension_numbers = #tpu.dot_dimension_numbers<[1], [1], [0], [0], [0, 0, 1, 0], [], []>, transpose_lhs_hint = false} : vector<32x24xf32>, vector<64x24xf32>, vector<32x64xf32> -> vector<32x64xf32>
    %broadcast_in_dim3A_220 = vector.shape_cast %get3A_1 : vector<16x64xf32> to vector<1x16x64xf32>
    %broadcast_in_dim3A_221 = vector.shape_cast %div3A_208 : vector<16x64xf32> to vector<1x16x64xf32>
    %broadcast_in_dim3A_222 = vector.shape_cast %slice3A : vector<32x1xf32> to vector<32x1x1xf32>
    %mul3A_223 = vector.broadcast %broadcast_in_dim3A_220 : vector<1x16x64xf32> to vector<32x16x64xf32>
    %mul3A_224 = vector.broadcast %broadcast_in_dim3A_222 : vector<32x1x1xf32> to vector<32x16x64xf32>
    %mul3A_225 = arith.mulf %mul3A_223, %mul3A_224 : vector<32x16x64xf32>
    %broadcast_in_dim3A_226 = vector.shape_cast %dot_general3A_217 : vector<32x64xf32> to vector<32x1x64xf32>
    %add3A_227 = vector.broadcast %broadcast_in_dim3A_226 : vector<32x1x64xf32> to vector<32x16x64xf32>
    %add3A_228 = arith.addf %mul3A_225, %add3A_227 : vector<32x16x64xf32>
    %broadcast_in_dim3A_229 = vector.shape_cast %get3A_13 : vector<32x1xf32> to vector<32x1x1xf32>
    %add3A_230 = vector.broadcast %broadcast_in_dim3A_229 : vector<32x1x1xf32> to vector<32x16x64xf32>
    %add3A_231 = arith.addf %add3A_228, %add3A_230 : vector<32x16x64xf32>
    %add3A_232 = arith.addf %slice3A_209, %slice3A_212 : vector<32x1xf32>
    %broadcast_in_dim3A_233 = vector.shape_cast %add3A_232 : vector<32x1xf32> to vector<32x1x1xf32>
    %mul3A_234 = vector.broadcast %broadcast_in_dim3A_220 : vector<1x16x64xf32> to vector<32x16x64xf32>
    %mul3A_235 = vector.broadcast %broadcast_in_dim3A_233 : vector<32x1x1xf32> to vector<32x16x64xf32>
    %mul3A_236 = arith.mulf %mul3A_234, %mul3A_235 : vector<32x16x64xf32>
    %broadcast_in_dim3A_237 = vector.shape_cast %dot_general3A_219 : vector<32x64xf32> to vector<32x1x64xf32>
    %add3A_238 = vector.broadcast %broadcast_in_dim3A_237 : vector<32x1x64xf32> to vector<32x16x64xf32>
    %add3A_239 = arith.addf %mul3A_236, %add3A_238 : vector<32x16x64xf32>
    %broadcast_in_dim3A_240 = vector.shape_cast %slice3A_214 : vector<32x1xf32> to vector<32x1x1xf32>
    %mul3A_241 = vector.broadcast %broadcast_in_dim3A_221 : vector<1x16x64xf32> to vector<32x16x64xf32>
    %mul3A_242 = vector.broadcast %broadcast_in_dim3A_240 : vector<32x1x1xf32> to vector<32x16x64xf32>
    %mul3A_243 = arith.mulf %mul3A_241, %mul3A_242 : vector<32x16x64xf32>
    %add3A_244 = arith.addf %add3A_239, %mul3A_243 : vector<32x16x64xf32>
    %broadcast_in_dim3A_245 = vector.shape_cast %slice3A_213 : vector<32x1xf32> to vector<32x1x1xf32>
    %mul3A_246 = vector.broadcast %broadcast_in_dim3A_220 : vector<1x16x64xf32> to vector<32x16x64xf32>
    %mul3A_247 = vector.broadcast %broadcast_in_dim3A_245 : vector<32x1x1xf32> to vector<32x16x64xf32>
    %mul3A_248 = arith.mulf %mul3A_246, %mul3A_247 : vector<32x16x64xf32>
    %broadcast_in_dim3A_249 = vector.shape_cast %slice3A_215 : vector<32x1xf32> to vector<32x1x1xf32>
    %mul3A_250 = vector.broadcast %broadcast_in_dim3A_221 : vector<1x16x64xf32> to vector<32x16x64xf32>
    %mul3A_251 = vector.broadcast %broadcast_in_dim3A_249 : vector<32x1x1xf32> to vector<32x16x64xf32>
    %mul3A_252 = arith.mulf %mul3A_250, %mul3A_251 : vector<32x16x64xf32>
    %add3A_253 = arith.addf %mul3A_248, %mul3A_252 : vector<32x16x64xf32>
    %stack3A_254 = vector.shape_cast %reduce_min3A_57 : vector<16x64xi32> to vector<16x64x1xi32>
    %stack3A_255 = vector.shape_cast %reduce_min3A_72 : vector<16x64xi32> to vector<16x64x1xi32>
    %stack3A_256 = vector.shape_cast %reduce_min3A_88 : vector<16x64xi32> to vector<16x64x1xi32>
    %stack3A_257 = vector.shape_cast %reduce_min3A_104 : vector<16x64xi32> to vector<16x64x1xi32>
    %stack3A_258 = vector.shape_cast %reduce_min3A_120 : vector<16x64xi32> to vector<16x64x1xi32>
    %stack3A_259 = vector.shape_cast %reduce_min3A_136 : vector<16x64xi32> to vector<16x64x1xi32>
    %stack3A_260 = vector.shape_cast %reduce_min3A_152 : vector<16x64xi32> to vector<16x64x1xi32>
    %stack3A_261 = vector.shape_cast %reduce_min3A_168 : vector<16x64xi32> to vector<16x64x1xi32>
    %stack3A_262 = tpu.concatenate %stack3A_254, %stack3A_255, %stack3A_256, %stack3A_257, %stack3A_258, %stack3A_259, %stack3A_260, %stack3A_261 in 2 : vector<16x64x1xi32>, vector<16x64x1xi32>, vector<16x64x1xi32>, vector<16x64x1xi32>, vector<16x64x1xi32>, vector<16x64x1xi32>, vector<16x64x1xi32>, vector<16x64x1xi32> -> vector<16x64x8xi32>
    %reshape3A_263 = vector.shape_cast %stack3A_262 : vector<16x64x8xi32> to vector<16x512xi32>
    %iota3A_264 = tpu.iota {dimensions = array<i32: 1>} : vector<16x64x512xi32>
    %broadcast_in_dim3A_265 = vector.shape_cast %reshape3A_263 : vector<16x512xi32> to vector<16x1x512xi32>
    %eq3A_266 = vector.broadcast %broadcast_in_dim3A_265 : vector<16x1x512xi32> to vector<16x64x512xi32>
    %eq3A_267 = arith.cmpi eq, %eq3A_266, %iota3A_264 : vector<16x64x512xi32>
    %jit3A_268 = arith.constant 1.000000e+00 : f32
    %jit3A_269 = arith.constant 0.000000e+00 : f32
    %broadcast_in_dim3A_270 = vector.broadcast %jit3A_268 : f32 to vector<16x64x512xf32>
    %broadcast_in_dim3A_271 = vector.broadcast %jit3A_269 : f32 to vector<16x64x512xf32>
    %select_n3A_272 = arith.select %eq3A_267, %broadcast_in_dim3A_270, %broadcast_in_dim3A_271 : vector<16x64x512xi1>, vector<16x64x512xf32>
    %iota3A_273 = tpu.iota {dimensions = array<i32: 0>} : vector<64x512xi32>
    %iota3A_274 = tpu.iota {dimensions = array<i32: 1>} : vector<64x512xi32>
    %div3A_275 = arith.constant 8 : i32
    %div3A_276 = vector.broadcast %div3A_275 : i32 to vector<64x512xi32>
    %div3A_277 = arith.divsi %iota3A_274, %div3A_276 : vector<64x512xi32>
    %eq3A_278 = arith.cmpi eq, %div3A_277, %iota3A_273 : vector<64x512xi32>
    %jit3A_279 = arith.constant 1.000000e+00 : f32
    %jit3A_280 = arith.constant 0.000000e+00 : f32
    %broadcast_in_dim3A_281 = vector.broadcast %jit3A_279 : f32 to vector<64x512xf32>
    %broadcast_in_dim3A_282 = vector.broadcast %jit3A_280 : f32 to vector<64x512xf32>
    %select_n3A_283 = arith.select %eq3A_278, %broadcast_in_dim3A_281, %broadcast_in_dim3A_282 : vector<64x512xi1>, vector<64x512xf32>
    %dot_general3A_284 = arith.constant dense<0.000000e+00> : vector<16x512xf32>
    %dot_general3A_285 = tpu.matmul %get3A_1, %select_n3A_283, %dot_general3A_284 {dimension_numbers = #tpu.dot_dimension_numbers<[1], [0], [0], [1], [0, 0, 1, 1], [], []>, transpose_lhs_hint = false} : vector<16x64xf32>, vector<64x512xf32>, vector<16x512xf32> -> vector<16x512xf32>
    %broadcast_in_dim3A_286 = vector.shape_cast %dot_general3A_285 : vector<16x512xf32> to vector<16x1x512xf32>
    %mul3A_287 = vector.broadcast %broadcast_in_dim3A_286 : vector<16x1x512xf32> to vector<16x64x512xf32>
    %mul3A_288 = arith.mulf %select_n3A_272, %mul3A_287 : vector<16x64x512xf32>
    %slice3A_289 = vector.extract_strided_slice %add3A_231 {offsets = [0, 0, 0], sizes = [32, 1, 64], strides = [1, 1, 1]} : vector<32x16x64xf32> to vector<32x1x64xf32>
    %squeeze3A = vector.shape_cast %slice3A_289 : vector<32x1x64xf32> to vector<32x64xf32>
    %dot_general3A_290 = arith.constant dense<0.000000e+00> : vector<32x512xf32>
    %dot_general3A_291 = tpu.matmul %squeeze3A, %select_n3A_283, %dot_general3A_290 {dimension_numbers = #tpu.dot_dimension_numbers<[1], [0], [0], [1], [0, 0, 1, 1], [], []>, transpose_lhs_hint = false} : vector<32x64xf32>, vector<64x512xf32>, vector<32x512xf32> -> vector<32x512xf32>
    %slice3A_292 = vector.extract_strided_slice %add3A_244 {offsets = [0, 0, 0], sizes = [32, 1, 64], strides = [1, 1, 1]} : vector<32x16x64xf32> to vector<32x1x64xf32>
    %squeeze3A_293 = vector.shape_cast %slice3A_292 : vector<32x1x64xf32> to vector<32x64xf32>
    %slice3A_294 = vector.extract_strided_slice %select_n3A_272 {offsets = [0, 0, 0], sizes = [1, 64, 512], strides = [1, 1, 1]} : vector<16x64x512xf32> to vector<1x64x512xf32>
    %squeeze3A_295 = vector.shape_cast %slice3A_294 : vector<1x64x512xf32> to vector<64x512xf32>
    %dot_general3A_296 = arith.constant dense<0.000000e+00> : vector<32x512xf32>
    %dot_general3A_297 = tpu.matmul %squeeze3A_293, %squeeze3A_295, %dot_general3A_296 {dimension_numbers = #tpu.dot_dimension_numbers<[1], [0], [0], [1], [0, 0, 1, 1], [], []>, transpose_lhs_hint = false} : vector<32x64xf32>, vector<64x512xf32>, vector<32x512xf32> -> vector<32x512xf32>
    %slice3A_298 = vector.extract_strided_slice %add3A_253 {offsets = [0, 0, 0], sizes = [32, 1, 64], strides = [1, 1, 1]} : vector<32x16x64xf32> to vector<32x1x64xf32>
    %squeeze3A_299 = vector.shape_cast %slice3A_298 : vector<32x1x64xf32> to vector<32x64xf32>
    %slice3A_300 = vector.extract_strided_slice %mul3A_288 {offsets = [0, 0, 0], sizes = [1, 64, 512], strides = [1, 1, 1]} : vector<16x64x512xf32> to vector<1x64x512xf32>
    %squeeze3A_301 = vector.shape_cast %slice3A_300 : vector<1x64x512xf32> to vector<64x512xf32>
    %dot_general3A_302 = arith.constant dense<0.000000e+00> : vector<32x512xf32>
    %dot_general3A_303 = tpu.matmul %squeeze3A_299, %squeeze3A_301, %dot_general3A_302 {dimension_numbers = #tpu.dot_dimension_numbers<[1], [0], [0], [1], [0, 0, 1, 1], [], []>, transpose_lhs_hint = false} : vector<32x64xf32>, vector<64x512xf32>, vector<32x512xf32> -> vector<32x512xf32>
    %add3A_304 = arith.addf %dot_general3A_291, %dot_general3A_297 : vector<32x512xf32>
    %add3A_305 = arith.addf %add3A_304, %dot_general3A_303 : vector<32x512xf32>
    %slice3A_306 = vector.extract_strided_slice %add3A_231 {offsets = [0, 1, 0], sizes = [32, 1, 64], strides = [1, 1, 1]} : vector<32x16x64xf32> to vector<32x1x64xf32>
    %squeeze3A_307 = vector.shape_cast %slice3A_306 : vector<32x1x64xf32> to vector<32x64xf32>
    %dot_general3A_308 = arith.constant dense<0.000000e+00> : vector<32x512xf32>
    %dot_general3A_309 = tpu.matmul %squeeze3A_307, %select_n3A_283, %dot_general3A_308 {dimension_numbers = #tpu.dot_dimension_numbers<[1], [0], [0], [1], [0, 0, 1, 1], [], []>, transpose_lhs_hint = false} : vector<32x64xf32>, vector<64x512xf32>, vector<32x512xf32> -> vector<32x512xf32>
    %slice3A_310 = vector.extract_strided_slice %add3A_244 {offsets = [0, 1, 0], sizes = [32, 1, 64], strides = [1, 1, 1]} : vector<32x16x64xf32> to vector<32x1x64xf32>
    %squeeze3A_311 = vector.shape_cast %slice3A_310 : vector<32x1x64xf32> to vector<32x64xf32>
    %slice3A_312 = vector.extract_strided_slice %select_n3A_272 {offsets = [1, 0, 0], sizes = [1, 64, 512], strides = [1, 1, 1]} : vector<16x64x512xf32> to vector<1x64x512xf32>
    %squeeze3A_313 = vector.shape_cast %slice3A_312 : vector<1x64x512xf32> to vector<64x512xf32>
    %dot_general3A_314 = arith.constant dense<0.000000e+00> : vector<32x512xf32>
    %dot_general3A_315 = tpu.matmul %squeeze3A_311, %squeeze3A_313, %dot_general3A_314 {dimension_numbers = #tpu.dot_dimension_numbers<[1], [0], [0], [1], [0, 0, 1, 1], [], []>, transpose_lhs_hint = false} : vector<32x64xf32>, vector<64x512xf32>, vector<32x512xf32> -> vector<32x512xf32>
    %slice3A_316 = vector.extract_strided_slice %add3A_253 {offsets = [0, 1, 0], sizes = [32, 1, 64], strides = [1, 1, 1]} : vector<32x16x64xf32> to vector<32x1x64xf32>
    %squeeze3A_317 = vector.shape_cast %slice3A_316 : vector<32x1x64xf32> to vector<32x64xf32>
    %slice3A_318 = vector.extract_strided_slice %mul3A_288 {offsets = [1, 0, 0], sizes = [1, 64, 512], strides = [1, 1, 1]} : vector<16x64x512xf32> to vector<1x64x512xf32>
    %squeeze3A_319 = vector.shape_cast %slice3A_318 : vector<1x64x512xf32> to vector<64x512xf32>
    %dot_general3A_320 = arith.constant dense<0.000000e+00> : vector<32x512xf32>
    %dot_general3A_321 = tpu.matmul %squeeze3A_317, %squeeze3A_319, %dot_general3A_320 {dimension_numbers = #tpu.dot_dimension_numbers<[1], [0], [0], [1], [0, 0, 1, 1], [], []>, transpose_lhs_hint = false} : vector<32x64xf32>, vector<64x512xf32>, vector<32x512xf32> -> vector<32x512xf32>
    %add3A_322 = arith.addf %dot_general3A_309, %dot_general3A_315 : vector<32x512xf32>
    %add3A_323 = arith.addf %add3A_322, %dot_general3A_321 : vector<32x512xf32>
    %slice3A_324 = vector.extract_strided_slice %add3A_231 {offsets = [0, 2, 0], sizes = [32, 1, 64], strides = [1, 1, 1]} : vector<32x16x64xf32> to vector<32x1x64xf32>
    %squeeze3A_325 = vector.shape_cast %slice3A_324 : vector<32x1x64xf32> to vector<32x64xf32>
    %dot_general3A_326 = arith.constant dense<0.000000e+00> : vector<32x512xf32>
    %dot_general3A_327 = tpu.matmul %squeeze3A_325, %select_n3A_283, %dot_general3A_326 {dimension_numbers = #tpu.dot_dimension_numbers<[1], [0], [0], [1], [0, 0, 1, 1], [], []>, transpose_lhs_hint = false} : vector<32x64xf32>, vector<64x512xf32>, vector<32x512xf32> -> vector<32x512xf32>
    %slice3A_328 = vector.extract_strided_slice %add3A_244 {offsets = [0, 2, 0], sizes = [32, 1, 64], strides = [1, 1, 1]} : vector<32x16x64xf32> to vector<32x1x64xf32>
    %squeeze3A_329 = vector.shape_cast %slice3A_328 : vector<32x1x64xf32> to vector<32x64xf32>
    %slice3A_330 = vector.extract_strided_slice %select_n3A_272 {offsets = [2, 0, 0], sizes = [1, 64, 512], strides = [1, 1, 1]} : vector<16x64x512xf32> to vector<1x64x512xf32>
    %squeeze3A_331 = vector.shape_cast %slice3A_330 : vector<1x64x512xf32> to vector<64x512xf32>
    %dot_general3A_332 = arith.constant dense<0.000000e+00> : vector<32x512xf32>
    %dot_general3A_333 = tpu.matmul %squeeze3A_329, %squeeze3A_331, %dot_general3A_332 {dimension_numbers = #tpu.dot_dimension_numbers<[1], [0], [0], [1], [0, 0, 1, 1], [], []>, transpose_lhs_hint = false} : vector<32x64xf32>, vector<64x512xf32>, vector<32x512xf32> -> vector<32x512xf32>
    %slice3A_334 = vector.extract_strided_slice %add3A_253 {offsets = [0, 2, 0], sizes = [32, 1, 64], strides = [1, 1, 1]} : vector<32x16x64xf32> to vector<32x1x64xf32>
    %squeeze3A_335 = vector.shape_cast %slice3A_334 : vector<32x1x64xf32> to vector<32x64xf32>
    %slice3A_336 = vector.extract_strided_slice %mul3A_288 {offsets = [2, 0, 0], sizes = [1, 64, 512], strides = [1, 1, 1]} : vector<16x64x512xf32> to vector<1x64x512xf32>
    %squeeze3A_337 = vector.shape_cast %slice3A_336 : vector<1x64x512xf32> to vector<64x512xf32>
    %dot_general3A_338 = arith.constant dense<0.000000e+00> : vector<32x512xf32>
    %dot_general3A_339 = tpu.matmul %squeeze3A_335, %squeeze3A_337, %dot_general3A_338 {dimension_numbers = #tpu.dot_dimension_numbers<[1], [0], [0], [1], [0, 0, 1, 1], [], []>, transpose_lhs_hint = false} : vector<32x64xf32>, vector<64x512xf32>, vector<32x512xf32> -> vector<32x512xf32>
    %add3A_340 = arith.addf %dot_general3A_327, %dot_general3A_333 : vector<32x512xf32>
    %add3A_341 = arith.addf %add3A_340, %dot_general3A_339 : vector<32x512xf32>
    %slice3A_342 = vector.extract_strided_slice %add3A_231 {offsets = [0, 3, 0], sizes = [32, 1, 64], strides = [1, 1, 1]} : vector<32x16x64xf32> to vector<32x1x64xf32>
    %squeeze3A_343 = vector.shape_cast %slice3A_342 : vector<32x1x64xf32> to vector<32x64xf32>
    %dot_general3A_344 = arith.constant dense<0.000000e+00> : vector<32x512xf32>
    %dot_general3A_345 = tpu.matmul %squeeze3A_343, %select_n3A_283, %dot_general3A_344 {dimension_numbers = #tpu.dot_dimension_numbers<[1], [0], [0], [1], [0, 0, 1, 1], [], []>, transpose_lhs_hint = false} : vector<32x64xf32>, vector<64x512xf32>, vector<32x512xf32> -> vector<32x512xf32>
    %slice3A_346 = vector.extract_strided_slice %add3A_244 {offsets = [0, 3, 0], sizes = [32, 1, 64], strides = [1, 1, 1]} : vector<32x16x64xf32> to vector<32x1x64xf32>
    %squeeze3A_347 = vector.shape_cast %slice3A_346 : vector<32x1x64xf32> to vector<32x64xf32>
    %slice3A_348 = vector.extract_strided_slice %select_n3A_272 {offsets = [3, 0, 0], sizes = [1, 64, 512], strides = [1, 1, 1]} : vector<16x64x512xf32> to vector<1x64x512xf32>
    %squeeze3A_349 = vector.shape_cast %slice3A_348 : vector<1x64x512xf32> to vector<64x512xf32>
    %dot_general3A_350 = arith.constant dense<0.000000e+00> : vector<32x512xf32>
    %dot_general3A_351 = tpu.matmul %squeeze3A_347, %squeeze3A_349, %dot_general3A_350 {dimension_numbers = #tpu.dot_dimension_numbers<[1], [0], [0], [1], [0, 0, 1, 1], [], []>, transpose_lhs_hint = false} : vector<32x64xf32>, vector<64x512xf32>, vector<32x512xf32> -> vector<32x512xf32>
    %slice3A_352 = vector.extract_strided_slice %add3A_253 {offsets = [0, 3, 0], sizes = [32, 1, 64], strides = [1, 1, 1]} : vector<32x16x64xf32> to vector<32x1x64xf32>
    %squeeze3A_353 = vector.shape_cast %slice3A_352 : vector<32x1x64xf32> to vector<32x64xf32>
    %slice3A_354 = vector.extract_strided_slice %mul3A_288 {offsets = [3, 0, 0], sizes = [1, 64, 512], strides = [1, 1, 1]} : vector<16x64x512xf32> to vector<1x64x512xf32>
    %squeeze3A_355 = vector.shape_cast %slice3A_354 : vector<1x64x512xf32> to vector<64x512xf32>
    %dot_general3A_356 = arith.constant dense<0.000000e+00> : vector<32x512xf32>
    %dot_general3A_357 = tpu.matmul %squeeze3A_353, %squeeze3A_355, %dot_general3A_356 {dimension_numbers = #tpu.dot_dimension_numbers<[1], [0], [0], [1], [0, 0, 1, 1], [], []>, transpose_lhs_hint = false} : vector<32x64xf32>, vector<64x512xf32>, vector<32x512xf32> -> vector<32x512xf32>
    %add3A_358 = arith.addf %dot_general3A_345, %dot_general3A_351 : vector<32x512xf32>
    %add3A_359 = arith.addf %add3A_358, %dot_general3A_357 : vector<32x512xf32>
    %slice3A_360 = vector.extract_strided_slice %add3A_231 {offsets = [0, 4, 0], sizes = [32, 1, 64], strides = [1, 1, 1]} : vector<32x16x64xf32> to vector<32x1x64xf32>
    %squeeze3A_361 = vector.shape_cast %slice3A_360 : vector<32x1x64xf32> to vector<32x64xf32>
    %dot_general3A_362 = arith.constant dense<0.000000e+00> : vector<32x512xf32>
    %dot_general3A_363 = tpu.matmul %squeeze3A_361, %select_n3A_283, %dot_general3A_362 {dimension_numbers = #tpu.dot_dimension_numbers<[1], [0], [0], [1], [0, 0, 1, 1], [], []>, transpose_lhs_hint = false} : vector<32x64xf32>, vector<64x512xf32>, vector<32x512xf32> -> vector<32x512xf32>
    %slice3A_364 = vector.extract_strided_slice %add3A_244 {offsets = [0, 4, 0], sizes = [32, 1, 64], strides = [1, 1, 1]} : vector<32x16x64xf32> to vector<32x1x64xf32>
    %squeeze3A_365 = vector.shape_cast %slice3A_364 : vector<32x1x64xf32> to vector<32x64xf32>
    %slice3A_366 = vector.extract_strided_slice %select_n3A_272 {offsets = [4, 0, 0], sizes = [1, 64, 512], strides = [1, 1, 1]} : vector<16x64x512xf32> to vector<1x64x512xf32>
    %squeeze3A_367 = vector.shape_cast %slice3A_366 : vector<1x64x512xf32> to vector<64x512xf32>
    %dot_general3A_368 = arith.constant dense<0.000000e+00> : vector<32x512xf32>
    %dot_general3A_369 = tpu.matmul %squeeze3A_365, %squeeze3A_367, %dot_general3A_368 {dimension_numbers = #tpu.dot_dimension_numbers<[1], [0], [0], [1], [0, 0, 1, 1], [], []>, transpose_lhs_hint = false} : vector<32x64xf32>, vector<64x512xf32>, vector<32x512xf32> -> vector<32x512xf32>
    %slice3A_370 = vector.extract_strided_slice %add3A_253 {offsets = [0, 4, 0], sizes = [32, 1, 64], strides = [1, 1, 1]} : vector<32x16x64xf32> to vector<32x1x64xf32>
    %squeeze3A_371 = vector.shape_cast %slice3A_370 : vector<32x1x64xf32> to vector<32x64xf32>
    %slice3A_372 = vector.extract_strided_slice %mul3A_288 {offsets = [4, 0, 0], sizes = [1, 64, 512], strides = [1, 1, 1]} : vector<16x64x512xf32> to vector<1x64x512xf32>
    %squeeze3A_373 = vector.shape_cast %slice3A_372 : vector<1x64x512xf32> to vector<64x512xf32>
    %dot_general3A_374 = arith.constant dense<0.000000e+00> : vector<32x512xf32>
    %dot_general3A_375 = tpu.matmul %squeeze3A_371, %squeeze3A_373, %dot_general3A_374 {dimension_numbers = #tpu.dot_dimension_numbers<[1], [0], [0], [1], [0, 0, 1, 1], [], []>, transpose_lhs_hint = false} : vector<32x64xf32>, vector<64x512xf32>, vector<32x512xf32> -> vector<32x512xf32>
    %add3A_376 = arith.addf %dot_general3A_363, %dot_general3A_369 : vector<32x512xf32>
    %add3A_377 = arith.addf %add3A_376, %dot_general3A_375 : vector<32x512xf32>
    %slice3A_378 = vector.extract_strided_slice %add3A_231 {offsets = [0, 5, 0], sizes = [32, 1, 64], strides = [1, 1, 1]} : vector<32x16x64xf32> to vector<32x1x64xf32>
    %squeeze3A_379 = vector.shape_cast %slice3A_378 : vector<32x1x64xf32> to vector<32x64xf32>
    %dot_general3A_380 = arith.constant dense<0.000000e+00> : vector<32x512xf32>
    %dot_general3A_381 = tpu.matmul %squeeze3A_379, %select_n3A_283, %dot_general3A_380 {dimension_numbers = #tpu.dot_dimension_numbers<[1], [0], [0], [1], [0, 0, 1, 1], [], []>, transpose_lhs_hint = false} : vector<32x64xf32>, vector<64x512xf32>, vector<32x512xf32> -> vector<32x512xf32>
    %slice3A_382 = vector.extract_strided_slice %add3A_244 {offsets = [0, 5, 0], sizes = [32, 1, 64], strides = [1, 1, 1]} : vector<32x16x64xf32> to vector<32x1x64xf32>
    %squeeze3A_383 = vector.shape_cast %slice3A_382 : vector<32x1x64xf32> to vector<32x64xf32>
    %slice3A_384 = vector.extract_strided_slice %select_n3A_272 {offsets = [5, 0, 0], sizes = [1, 64, 512], strides = [1, 1, 1]} : vector<16x64x512xf32> to vector<1x64x512xf32>
    %squeeze3A_385 = vector.shape_cast %slice3A_384 : vector<1x64x512xf32> to vector<64x512xf32>
    %dot_general3A_386 = arith.constant dense<0.000000e+00> : vector<32x512xf32>
    %dot_general3A_387 = tpu.matmul %squeeze3A_383, %squeeze3A_385, %dot_general3A_386 {dimension_numbers = #tpu.dot_dimension_numbers<[1], [0], [0], [1], [0, 0, 1, 1], [], []>, transpose_lhs_hint = false} : vector<32x64xf32>, vector<64x512xf32>, vector<32x512xf32> -> vector<32x512xf32>
    %slice3A_388 = vector.extract_strided_slice %add3A_253 {offsets = [0, 5, 0], sizes = [32, 1, 64], strides = [1, 1, 1]} : vector<32x16x64xf32> to vector<32x1x64xf32>
    %squeeze3A_389 = vector.shape_cast %slice3A_388 : vector<32x1x64xf32> to vector<32x64xf32>
    %slice3A_390 = vector.extract_strided_slice %mul3A_288 {offsets = [5, 0, 0], sizes = [1, 64, 512], strides = [1, 1, 1]} : vector<16x64x512xf32> to vector<1x64x512xf32>
    %squeeze3A_391 = vector.shape_cast %slice3A_390 : vector<1x64x512xf32> to vector<64x512xf32>
    %dot_general3A_392 = arith.constant dense<0.000000e+00> : vector<32x512xf32>
    %dot_general3A_393 = tpu.matmul %squeeze3A_389, %squeeze3A_391, %dot_general3A_392 {dimension_numbers = #tpu.dot_dimension_numbers<[1], [0], [0], [1], [0, 0, 1, 1], [], []>, transpose_lhs_hint = false} : vector<32x64xf32>, vector<64x512xf32>, vector<32x512xf32> -> vector<32x512xf32>
    %add3A_394 = arith.addf %dot_general3A_381, %dot_general3A_387 : vector<32x512xf32>
    %add3A_395 = arith.addf %add3A_394, %dot_general3A_393 : vector<32x512xf32>
    %slice3A_396 = vector.extract_strided_slice %add3A_231 {offsets = [0, 6, 0], sizes = [32, 1, 64], strides = [1, 1, 1]} : vector<32x16x64xf32> to vector<32x1x64xf32>
    %squeeze3A_397 = vector.shape_cast %slice3A_396 : vector<32x1x64xf32> to vector<32x64xf32>
    %dot_general3A_398 = arith.constant dense<0.000000e+00> : vector<32x512xf32>
    %dot_general3A_399 = tpu.matmul %squeeze3A_397, %select_n3A_283, %dot_general3A_398 {dimension_numbers = #tpu.dot_dimension_numbers<[1], [0], [0], [1], [0, 0, 1, 1], [], []>, transpose_lhs_hint = false} : vector<32x64xf32>, vector<64x512xf32>, vector<32x512xf32> -> vector<32x512xf32>
    %slice3A_400 = vector.extract_strided_slice %add3A_244 {offsets = [0, 6, 0], sizes = [32, 1, 64], strides = [1, 1, 1]} : vector<32x16x64xf32> to vector<32x1x64xf32>
    %squeeze3A_401 = vector.shape_cast %slice3A_400 : vector<32x1x64xf32> to vector<32x64xf32>
    %slice3A_402 = vector.extract_strided_slice %select_n3A_272 {offsets = [6, 0, 0], sizes = [1, 64, 512], strides = [1, 1, 1]} : vector<16x64x512xf32> to vector<1x64x512xf32>
    %squeeze3A_403 = vector.shape_cast %slice3A_402 : vector<1x64x512xf32> to vector<64x512xf32>
    %dot_general3A_404 = arith.constant dense<0.000000e+00> : vector<32x512xf32>
    %dot_general3A_405 = tpu.matmul %squeeze3A_401, %squeeze3A_403, %dot_general3A_404 {dimension_numbers = #tpu.dot_dimension_numbers<[1], [0], [0], [1], [0, 0, 1, 1], [], []>, transpose_lhs_hint = false} : vector<32x64xf32>, vector<64x512xf32>, vector<32x512xf32> -> vector<32x512xf32>
    %slice3A_406 = vector.extract_strided_slice %add3A_253 {offsets = [0, 6, 0], sizes = [32, 1, 64], strides = [1, 1, 1]} : vector<32x16x64xf32> to vector<32x1x64xf32>
    %squeeze3A_407 = vector.shape_cast %slice3A_406 : vector<32x1x64xf32> to vector<32x64xf32>
    %slice3A_408 = vector.extract_strided_slice %mul3A_288 {offsets = [6, 0, 0], sizes = [1, 64, 512], strides = [1, 1, 1]} : vector<16x64x512xf32> to vector<1x64x512xf32>
    %squeeze3A_409 = vector.shape_cast %slice3A_408 : vector<1x64x512xf32> to vector<64x512xf32>
    %dot_general3A_410 = arith.constant dense<0.000000e+00> : vector<32x512xf32>
    %dot_general3A_411 = tpu.matmul %squeeze3A_407, %squeeze3A_409, %dot_general3A_410 {dimension_numbers = #tpu.dot_dimension_numbers<[1], [0], [0], [1], [0, 0, 1, 1], [], []>, transpose_lhs_hint = false} : vector<32x64xf32>, vector<64x512xf32>, vector<32x512xf32> -> vector<32x512xf32>
    %add3A_412 = arith.addf %dot_general3A_399, %dot_general3A_405 : vector<32x512xf32>
    %add3A_413 = arith.addf %add3A_412, %dot_general3A_411 : vector<32x512xf32>
    %slice3A_414 = vector.extract_strided_slice %add3A_231 {offsets = [0, 7, 0], sizes = [32, 1, 64], strides = [1, 1, 1]} : vector<32x16x64xf32> to vector<32x1x64xf32>
    %squeeze3A_415 = vector.shape_cast %slice3A_414 : vector<32x1x64xf32> to vector<32x64xf32>
    %dot_general3A_416 = arith.constant dense<0.000000e+00> : vector<32x512xf32>
    %dot_general3A_417 = tpu.matmul %squeeze3A_415, %select_n3A_283, %dot_general3A_416 {dimension_numbers = #tpu.dot_dimension_numbers<[1], [0], [0], [1], [0, 0, 1, 1], [], []>, transpose_lhs_hint = false} : vector<32x64xf32>, vector<64x512xf32>, vector<32x512xf32> -> vector<32x512xf32>
    %slice3A_418 = vector.extract_strided_slice %add3A_244 {offsets = [0, 7, 0], sizes = [32, 1, 64], strides = [1, 1, 1]} : vector<32x16x64xf32> to vector<32x1x64xf32>
    %squeeze3A_419 = vector.shape_cast %slice3A_418 : vector<32x1x64xf32> to vector<32x64xf32>
    %slice3A_420 = vector.extract_strided_slice %select_n3A_272 {offsets = [7, 0, 0], sizes = [1, 64, 512], strides = [1, 1, 1]} : vector<16x64x512xf32> to vector<1x64x512xf32>
    %squeeze3A_421 = vector.shape_cast %slice3A_420 : vector<1x64x512xf32> to vector<64x512xf32>
    %dot_general3A_422 = arith.constant dense<0.000000e+00> : vector<32x512xf32>
    %dot_general3A_423 = tpu.matmul %squeeze3A_419, %squeeze3A_421, %dot_general3A_422 {dimension_numbers = #tpu.dot_dimension_numbers<[1], [0], [0], [1], [0, 0, 1, 1], [], []>, transpose_lhs_hint = false} : vector<32x64xf32>, vector<64x512xf32>, vector<32x512xf32> -> vector<32x512xf32>
    %slice3A_424 = vector.extract_strided_slice %add3A_253 {offsets = [0, 7, 0], sizes = [32, 1, 64], strides = [1, 1, 1]} : vector<32x16x64xf32> to vector<32x1x64xf32>
    %squeeze3A_425 = vector.shape_cast %slice3A_424 : vector<32x1x64xf32> to vector<32x64xf32>
    %slice3A_426 = vector.extract_strided_slice %mul3A_288 {offsets = [7, 0, 0], sizes = [1, 64, 512], strides = [1, 1, 1]} : vector<16x64x512xf32> to vector<1x64x512xf32>
    %squeeze3A_427 = vector.shape_cast %slice3A_426 : vector<1x64x512xf32> to vector<64x512xf32>
    %dot_general3A_428 = arith.constant dense<0.000000e+00> : vector<32x512xf32>
    %dot_general3A_429 = tpu.matmul %squeeze3A_425, %squeeze3A_427, %dot_general3A_428 {dimension_numbers = #tpu.dot_dimension_numbers<[1], [0], [0], [1], [0, 0, 1, 1], [], []>, transpose_lhs_hint = false} : vector<32x64xf32>, vector<64x512xf32>, vector<32x512xf32> -> vector<32x512xf32>
    %add3A_430 = arith.addf %dot_general3A_417, %dot_general3A_423 : vector<32x512xf32>
    %add3A_431 = arith.addf %add3A_430, %dot_general3A_429 : vector<32x512xf32>
    %slice3A_432 = vector.extract_strided_slice %add3A_231 {offsets = [0, 8, 0], sizes = [32, 1, 64], strides = [1, 1, 1]} : vector<32x16x64xf32> to vector<32x1x64xf32>
    %squeeze3A_433 = vector.shape_cast %slice3A_432 : vector<32x1x64xf32> to vector<32x64xf32>
    %dot_general3A_434 = arith.constant dense<0.000000e+00> : vector<32x512xf32>
    %dot_general3A_435 = tpu.matmul %squeeze3A_433, %select_n3A_283, %dot_general3A_434 {dimension_numbers = #tpu.dot_dimension_numbers<[1], [0], [0], [1], [0, 0, 1, 1], [], []>, transpose_lhs_hint = false} : vector<32x64xf32>, vector<64x512xf32>, vector<32x512xf32> -> vector<32x512xf32>
    %slice3A_436 = vector.extract_strided_slice %add3A_244 {offsets = [0, 8, 0], sizes = [32, 1, 64], strides = [1, 1, 1]} : vector<32x16x64xf32> to vector<32x1x64xf32>
    %squeeze3A_437 = vector.shape_cast %slice3A_436 : vector<32x1x64xf32> to vector<32x64xf32>
    %slice3A_438 = vector.extract_strided_slice %select_n3A_272 {offsets = [8, 0, 0], sizes = [1, 64, 512], strides = [1, 1, 1]} : vector<16x64x512xf32> to vector<1x64x512xf32>
    %squeeze3A_439 = vector.shape_cast %slice3A_438 : vector<1x64x512xf32> to vector<64x512xf32>
    %dot_general3A_440 = arith.constant dense<0.000000e+00> : vector<32x512xf32>
    %dot_general3A_441 = tpu.matmul %squeeze3A_437, %squeeze3A_439, %dot_general3A_440 {dimension_numbers = #tpu.dot_dimension_numbers<[1], [0], [0], [1], [0, 0, 1, 1], [], []>, transpose_lhs_hint = false} : vector<32x64xf32>, vector<64x512xf32>, vector<32x512xf32> -> vector<32x512xf32>
    %slice3A_442 = vector.extract_strided_slice %add3A_253 {offsets = [0, 8, 0], sizes = [32, 1, 64], strides = [1, 1, 1]} : vector<32x16x64xf32> to vector<32x1x64xf32>
    %squeeze3A_443 = vector.shape_cast %slice3A_442 : vector<32x1x64xf32> to vector<32x64xf32>
    %slice3A_444 = vector.extract_strided_slice %mul3A_288 {offsets = [8, 0, 0], sizes = [1, 64, 512], strides = [1, 1, 1]} : vector<16x64x512xf32> to vector<1x64x512xf32>
    %squeeze3A_445 = vector.shape_cast %slice3A_444 : vector<1x64x512xf32> to vector<64x512xf32>
    %dot_general3A_446 = arith.constant dense<0.000000e+00> : vector<32x512xf32>
    %dot_general3A_447 = tpu.matmul %squeeze3A_443, %squeeze3A_445, %dot_general3A_446 {dimension_numbers = #tpu.dot_dimension_numbers<[1], [0], [0], [1], [0, 0, 1, 1], [], []>, transpose_lhs_hint = false} : vector<32x64xf32>, vector<64x512xf32>, vector<32x512xf32> -> vector<32x512xf32>
    %add3A_448 = arith.addf %dot_general3A_435, %dot_general3A_441 : vector<32x512xf32>
    %add3A_449 = arith.addf %add3A_448, %dot_general3A_447 : vector<32x512xf32>
    %slice3A_450 = vector.extract_strided_slice %add3A_231 {offsets = [0, 9, 0], sizes = [32, 1, 64], strides = [1, 1, 1]} : vector<32x16x64xf32> to vector<32x1x64xf32>
    %squeeze3A_451 = vector.shape_cast %slice3A_450 : vector<32x1x64xf32> to vector<32x64xf32>
    %dot_general3A_452 = arith.constant dense<0.000000e+00> : vector<32x512xf32>
    %dot_general3A_453 = tpu.matmul %squeeze3A_451, %select_n3A_283, %dot_general3A_452 {dimension_numbers = #tpu.dot_dimension_numbers<[1], [0], [0], [1], [0, 0, 1, 1], [], []>, transpose_lhs_hint = false} : vector<32x64xf32>, vector<64x512xf32>, vector<32x512xf32> -> vector<32x512xf32>
    %slice3A_454 = vector.extract_strided_slice %add3A_244 {offsets = [0, 9, 0], sizes = [32, 1, 64], strides = [1, 1, 1]} : vector<32x16x64xf32> to vector<32x1x64xf32>
    %squeeze3A_455 = vector.shape_cast %slice3A_454 : vector<32x1x64xf32> to vector<32x64xf32>
    %slice3A_456 = vector.extract_strided_slice %select_n3A_272 {offsets = [9, 0, 0], sizes = [1, 64, 512], strides = [1, 1, 1]} : vector<16x64x512xf32> to vector<1x64x512xf32>
    %squeeze3A_457 = vector.shape_cast %slice3A_456 : vector<1x64x512xf32> to vector<64x512xf32>
    %dot_general3A_458 = arith.constant dense<0.000000e+00> : vector<32x512xf32>
    %dot_general3A_459 = tpu.matmul %squeeze3A_455, %squeeze3A_457, %dot_general3A_458 {dimension_numbers = #tpu.dot_dimension_numbers<[1], [0], [0], [1], [0, 0, 1, 1], [], []>, transpose_lhs_hint = false} : vector<32x64xf32>, vector<64x512xf32>, vector<32x512xf32> -> vector<32x512xf32>
    %slice3A_460 = vector.extract_strided_slice %add3A_253 {offsets = [0, 9, 0], sizes = [32, 1, 64], strides = [1, 1, 1]} : vector<32x16x64xf32> to vector<32x1x64xf32>
    %squeeze3A_461 = vector.shape_cast %slice3A_460 : vector<32x1x64xf32> to vector<32x64xf32>
    %slice3A_462 = vector.extract_strided_slice %mul3A_288 {offsets = [9, 0, 0], sizes = [1, 64, 512], strides = [1, 1, 1]} : vector<16x64x512xf32> to vector<1x64x512xf32>
    %squeeze3A_463 = vector.shape_cast %slice3A_462 : vector<1x64x512xf32> to vector<64x512xf32>
    %dot_general3A_464 = arith.constant dense<0.000000e+00> : vector<32x512xf32>
    %dot_general3A_465 = tpu.matmul %squeeze3A_461, %squeeze3A_463, %dot_general3A_464 {dimension_numbers = #tpu.dot_dimension_numbers<[1], [0], [0], [1], [0, 0, 1, 1], [], []>, transpose_lhs_hint = false} : vector<32x64xf32>, vector<64x512xf32>, vector<32x512xf32> -> vector<32x512xf32>
    %add3A_466 = arith.addf %dot_general3A_453, %dot_general3A_459 : vector<32x512xf32>
    %add3A_467 = arith.addf %add3A_466, %dot_general3A_465 : vector<32x512xf32>
    %slice3A_468 = vector.extract_strided_slice %add3A_231 {offsets = [0, 10, 0], sizes = [32, 1, 64], strides = [1, 1, 1]} : vector<32x16x64xf32> to vector<32x1x64xf32>
    %squeeze3A_469 = vector.shape_cast %slice3A_468 : vector<32x1x64xf32> to vector<32x64xf32>
    %dot_general3A_470 = arith.constant dense<0.000000e+00> : vector<32x512xf32>
    %dot_general3A_471 = tpu.matmul %squeeze3A_469, %select_n3A_283, %dot_general3A_470 {dimension_numbers = #tpu.dot_dimension_numbers<[1], [0], [0], [1], [0, 0, 1, 1], [], []>, transpose_lhs_hint = false} : vector<32x64xf32>, vector<64x512xf32>, vector<32x512xf32> -> vector<32x512xf32>
    %slice3A_472 = vector.extract_strided_slice %add3A_244 {offsets = [0, 10, 0], sizes = [32, 1, 64], strides = [1, 1, 1]} : vector<32x16x64xf32> to vector<32x1x64xf32>
    %squeeze3A_473 = vector.shape_cast %slice3A_472 : vector<32x1x64xf32> to vector<32x64xf32>
    %slice3A_474 = vector.extract_strided_slice %select_n3A_272 {offsets = [10, 0, 0], sizes = [1, 64, 512], strides = [1, 1, 1]} : vector<16x64x512xf32> to vector<1x64x512xf32>
    %squeeze3A_475 = vector.shape_cast %slice3A_474 : vector<1x64x512xf32> to vector<64x512xf32>
    %dot_general3A_476 = arith.constant dense<0.000000e+00> : vector<32x512xf32>
    %dot_general3A_477 = tpu.matmul %squeeze3A_473, %squeeze3A_475, %dot_general3A_476 {dimension_numbers = #tpu.dot_dimension_numbers<[1], [0], [0], [1], [0, 0, 1, 1], [], []>, transpose_lhs_hint = false} : vector<32x64xf32>, vector<64x512xf32>, vector<32x512xf32> -> vector<32x512xf32>
    %slice3A_478 = vector.extract_strided_slice %add3A_253 {offsets = [0, 10, 0], sizes = [32, 1, 64], strides = [1, 1, 1]} : vector<32x16x64xf32> to vector<32x1x64xf32>
    %squeeze3A_479 = vector.shape_cast %slice3A_478 : vector<32x1x64xf32> to vector<32x64xf32>
    %slice3A_480 = vector.extract_strided_slice %mul3A_288 {offsets = [10, 0, 0], sizes = [1, 64, 512], strides = [1, 1, 1]} : vector<16x64x512xf32> to vector<1x64x512xf32>
    %squeeze3A_481 = vector.shape_cast %slice3A_480 : vector<1x64x512xf32> to vector<64x512xf32>
    %dot_general3A_482 = arith.constant dense<0.000000e+00> : vector<32x512xf32>
    %dot_general3A_483 = tpu.matmul %squeeze3A_479, %squeeze3A_481, %dot_general3A_482 {dimension_numbers = #tpu.dot_dimension_numbers<[1], [0], [0], [1], [0, 0, 1, 1], [], []>, transpose_lhs_hint = false} : vector<32x64xf32>, vector<64x512xf32>, vector<32x512xf32> -> vector<32x512xf32>
    %add3A_484 = arith.addf %dot_general3A_471, %dot_general3A_477 : vector<32x512xf32>
    %add3A_485 = arith.addf %add3A_484, %dot_general3A_483 : vector<32x512xf32>
    %slice3A_486 = vector.extract_strided_slice %add3A_231 {offsets = [0, 11, 0], sizes = [32, 1, 64], strides = [1, 1, 1]} : vector<32x16x64xf32> to vector<32x1x64xf32>
    %squeeze3A_487 = vector.shape_cast %slice3A_486 : vector<32x1x64xf32> to vector<32x64xf32>
    %dot_general3A_488 = arith.constant dense<0.000000e+00> : vector<32x512xf32>
    %dot_general3A_489 = tpu.matmul %squeeze3A_487, %select_n3A_283, %dot_general3A_488 {dimension_numbers = #tpu.dot_dimension_numbers<[1], [0], [0], [1], [0, 0, 1, 1], [], []>, transpose_lhs_hint = false} : vector<32x64xf32>, vector<64x512xf32>, vector<32x512xf32> -> vector<32x512xf32>
    %slice3A_490 = vector.extract_strided_slice %add3A_244 {offsets = [0, 11, 0], sizes = [32, 1, 64], strides = [1, 1, 1]} : vector<32x16x64xf32> to vector<32x1x64xf32>
    %squeeze3A_491 = vector.shape_cast %slice3A_490 : vector<32x1x64xf32> to vector<32x64xf32>
    %slice3A_492 = vector.extract_strided_slice %select_n3A_272 {offsets = [11, 0, 0], sizes = [1, 64, 512], strides = [1, 1, 1]} : vector<16x64x512xf32> to vector<1x64x512xf32>
    %squeeze3A_493 = vector.shape_cast %slice3A_492 : vector<1x64x512xf32> to vector<64x512xf32>
    %dot_general3A_494 = arith.constant dense<0.000000e+00> : vector<32x512xf32>
    %dot_general3A_495 = tpu.matmul %squeeze3A_491, %squeeze3A_493, %dot_general3A_494 {dimension_numbers = #tpu.dot_dimension_numbers<[1], [0], [0], [1], [0, 0, 1, 1], [], []>, transpose_lhs_hint = false} : vector<32x64xf32>, vector<64x512xf32>, vector<32x512xf32> -> vector<32x512xf32>
    %slice3A_496 = vector.extract_strided_slice %add3A_253 {offsets = [0, 11, 0], sizes = [32, 1, 64], strides = [1, 1, 1]} : vector<32x16x64xf32> to vector<32x1x64xf32>
    %squeeze3A_497 = vector.shape_cast %slice3A_496 : vector<32x1x64xf32> to vector<32x64xf32>
    %slice3A_498 = vector.extract_strided_slice %mul3A_288 {offsets = [11, 0, 0], sizes = [1, 64, 512], strides = [1, 1, 1]} : vector<16x64x512xf32> to vector<1x64x512xf32>
    %squeeze3A_499 = vector.shape_cast %slice3A_498 : vector<1x64x512xf32> to vector<64x512xf32>
    %dot_general3A_500 = arith.constant dense<0.000000e+00> : vector<32x512xf32>
    %dot_general3A_501 = tpu.matmul %squeeze3A_497, %squeeze3A_499, %dot_general3A_500 {dimension_numbers = #tpu.dot_dimension_numbers<[1], [0], [0], [1], [0, 0, 1, 1], [], []>, transpose_lhs_hint = false} : vector<32x64xf32>, vector<64x512xf32>, vector<32x512xf32> -> vector<32x512xf32>
    %add3A_502 = arith.addf %dot_general3A_489, %dot_general3A_495 : vector<32x512xf32>
    %add3A_503 = arith.addf %add3A_502, %dot_general3A_501 : vector<32x512xf32>
    %slice3A_504 = vector.extract_strided_slice %add3A_231 {offsets = [0, 12, 0], sizes = [32, 1, 64], strides = [1, 1, 1]} : vector<32x16x64xf32> to vector<32x1x64xf32>
    %squeeze3A_505 = vector.shape_cast %slice3A_504 : vector<32x1x64xf32> to vector<32x64xf32>
    %dot_general3A_506 = arith.constant dense<0.000000e+00> : vector<32x512xf32>
    %dot_general3A_507 = tpu.matmul %squeeze3A_505, %select_n3A_283, %dot_general3A_506 {dimension_numbers = #tpu.dot_dimension_numbers<[1], [0], [0], [1], [0, 0, 1, 1], [], []>, transpose_lhs_hint = false} : vector<32x64xf32>, vector<64x512xf32>, vector<32x512xf32> -> vector<32x512xf32>
    %slice3A_508 = vector.extract_strided_slice %add3A_244 {offsets = [0, 12, 0], sizes = [32, 1, 64], strides = [1, 1, 1]} : vector<32x16x64xf32> to vector<32x1x64xf32>
    %squeeze3A_509 = vector.shape_cast %slice3A_508 : vector<32x1x64xf32> to vector<32x64xf32>
    %slice3A_510 = vector.extract_strided_slice %select_n3A_272 {offsets = [12, 0, 0], sizes = [1, 64, 512], strides = [1, 1, 1]} : vector<16x64x512xf32> to vector<1x64x512xf32>
    %squeeze3A_511 = vector.shape_cast %slice3A_510 : vector<1x64x512xf32> to vector<64x512xf32>
    %dot_general3A_512 = arith.constant dense<0.000000e+00> : vector<32x512xf32>
    %dot_general3A_513 = tpu.matmul %squeeze3A_509, %squeeze3A_511, %dot_general3A_512 {dimension_numbers = #tpu.dot_dimension_numbers<[1], [0], [0], [1], [0, 0, 1, 1], [], []>, transpose_lhs_hint = false} : vector<32x64xf32>, vector<64x512xf32>, vector<32x512xf32> -> vector<32x512xf32>
    %slice3A_514 = vector.extract_strided_slice %add3A_253 {offsets = [0, 12, 0], sizes = [32, 1, 64], strides = [1, 1, 1]} : vector<32x16x64xf32> to vector<32x1x64xf32>
    %squeeze3A_515 = vector.shape_cast %slice3A_514 : vector<32x1x64xf32> to vector<32x64xf32>
    %slice3A_516 = vector.extract_strided_slice %mul3A_288 {offsets = [12, 0, 0], sizes = [1, 64, 512], strides = [1, 1, 1]} : vector<16x64x512xf32> to vector<1x64x512xf32>
    %squeeze3A_517 = vector.shape_cast %slice3A_516 : vector<1x64x512xf32> to vector<64x512xf32>
    %dot_general3A_518 = arith.constant dense<0.000000e+00> : vector<32x512xf32>
    %dot_general3A_519 = tpu.matmul %squeeze3A_515, %squeeze3A_517, %dot_general3A_518 {dimension_numbers = #tpu.dot_dimension_numbers<[1], [0], [0], [1], [0, 0, 1, 1], [], []>, transpose_lhs_hint = false} : vector<32x64xf32>, vector<64x512xf32>, vector<32x512xf32> -> vector<32x512xf32>
    %add3A_520 = arith.addf %dot_general3A_507, %dot_general3A_513 : vector<32x512xf32>
    %add3A_521 = arith.addf %add3A_520, %dot_general3A_519 : vector<32x512xf32>
    %slice3A_522 = vector.extract_strided_slice %add3A_231 {offsets = [0, 13, 0], sizes = [32, 1, 64], strides = [1, 1, 1]} : vector<32x16x64xf32> to vector<32x1x64xf32>
    %squeeze3A_523 = vector.shape_cast %slice3A_522 : vector<32x1x64xf32> to vector<32x64xf32>
    %dot_general3A_524 = arith.constant dense<0.000000e+00> : vector<32x512xf32>
    %dot_general3A_525 = tpu.matmul %squeeze3A_523, %select_n3A_283, %dot_general3A_524 {dimension_numbers = #tpu.dot_dimension_numbers<[1], [0], [0], [1], [0, 0, 1, 1], [], []>, transpose_lhs_hint = false} : vector<32x64xf32>, vector<64x512xf32>, vector<32x512xf32> -> vector<32x512xf32>
    %slice3A_526 = vector.extract_strided_slice %add3A_244 {offsets = [0, 13, 0], sizes = [32, 1, 64], strides = [1, 1, 1]} : vector<32x16x64xf32> to vector<32x1x64xf32>
    %squeeze3A_527 = vector.shape_cast %slice3A_526 : vector<32x1x64xf32> to vector<32x64xf32>
    %slice3A_528 = vector.extract_strided_slice %select_n3A_272 {offsets = [13, 0, 0], sizes = [1, 64, 512], strides = [1, 1, 1]} : vector<16x64x512xf32> to vector<1x64x512xf32>
    %squeeze3A_529 = vector.shape_cast %slice3A_528 : vector<1x64x512xf32> to vector<64x512xf32>
    %dot_general3A_530 = arith.constant dense<0.000000e+00> : vector<32x512xf32>
    %dot_general3A_531 = tpu.matmul %squeeze3A_527, %squeeze3A_529, %dot_general3A_530 {dimension_numbers = #tpu.dot_dimension_numbers<[1], [0], [0], [1], [0, 0, 1, 1], [], []>, transpose_lhs_hint = false} : vector<32x64xf32>, vector<64x512xf32>, vector<32x512xf32> -> vector<32x512xf32>
    %slice3A_532 = vector.extract_strided_slice %add3A_253 {offsets = [0, 13, 0], sizes = [32, 1, 64], strides = [1, 1, 1]} : vector<32x16x64xf32> to vector<32x1x64xf32>
    %squeeze3A_533 = vector.shape_cast %slice3A_532 : vector<32x1x64xf32> to vector<32x64xf32>
    %slice3A_534 = vector.extract_strided_slice %mul3A_288 {offsets = [13, 0, 0], sizes = [1, 64, 512], strides = [1, 1, 1]} : vector<16x64x512xf32> to vector<1x64x512xf32>
    %squeeze3A_535 = vector.shape_cast %slice3A_534 : vector<1x64x512xf32> to vector<64x512xf32>
    %dot_general3A_536 = arith.constant dense<0.000000e+00> : vector<32x512xf32>
    %dot_general3A_537 = tpu.matmul %squeeze3A_533, %squeeze3A_535, %dot_general3A_536 {dimension_numbers = #tpu.dot_dimension_numbers<[1], [0], [0], [1], [0, 0, 1, 1], [], []>, transpose_lhs_hint = false} : vector<32x64xf32>, vector<64x512xf32>, vector<32x512xf32> -> vector<32x512xf32>
    %add3A_538 = arith.addf %dot_general3A_525, %dot_general3A_531 : vector<32x512xf32>
    %add3A_539 = arith.addf %add3A_538, %dot_general3A_537 : vector<32x512xf32>
    %slice3A_540 = vector.extract_strided_slice %add3A_231 {offsets = [0, 14, 0], sizes = [32, 1, 64], strides = [1, 1, 1]} : vector<32x16x64xf32> to vector<32x1x64xf32>
    %squeeze3A_541 = vector.shape_cast %slice3A_540 : vector<32x1x64xf32> to vector<32x64xf32>
    %dot_general3A_542 = arith.constant dense<0.000000e+00> : vector<32x512xf32>
    %dot_general3A_543 = tpu.matmul %squeeze3A_541, %select_n3A_283, %dot_general3A_542 {dimension_numbers = #tpu.dot_dimension_numbers<[1], [0], [0], [1], [0, 0, 1, 1], [], []>, transpose_lhs_hint = false} : vector<32x64xf32>, vector<64x512xf32>, vector<32x512xf32> -> vector<32x512xf32>
    %slice3A_544 = vector.extract_strided_slice %add3A_244 {offsets = [0, 14, 0], sizes = [32, 1, 64], strides = [1, 1, 1]} : vector<32x16x64xf32> to vector<32x1x64xf32>
    %squeeze3A_545 = vector.shape_cast %slice3A_544 : vector<32x1x64xf32> to vector<32x64xf32>
    %slice3A_546 = vector.extract_strided_slice %select_n3A_272 {offsets = [14, 0, 0], sizes = [1, 64, 512], strides = [1, 1, 1]} : vector<16x64x512xf32> to vector<1x64x512xf32>
    %squeeze3A_547 = vector.shape_cast %slice3A_546 : vector<1x64x512xf32> to vector<64x512xf32>
    %dot_general3A_548 = arith.constant dense<0.000000e+00> : vector<32x512xf32>
    %dot_general3A_549 = tpu.matmul %squeeze3A_545, %squeeze3A_547, %dot_general3A_548 {dimension_numbers = #tpu.dot_dimension_numbers<[1], [0], [0], [1], [0, 0, 1, 1], [], []>, transpose_lhs_hint = false} : vector<32x64xf32>, vector<64x512xf32>, vector<32x512xf32> -> vector<32x512xf32>
    %slice3A_550 = vector.extract_strided_slice %add3A_253 {offsets = [0, 14, 0], sizes = [32, 1, 64], strides = [1, 1, 1]} : vector<32x16x64xf32> to vector<32x1x64xf32>
    %squeeze3A_551 = vector.shape_cast %slice3A_550 : vector<32x1x64xf32> to vector<32x64xf32>
    %slice3A_552 = vector.extract_strided_slice %mul3A_288 {offsets = [14, 0, 0], sizes = [1, 64, 512], strides = [1, 1, 1]} : vector<16x64x512xf32> to vector<1x64x512xf32>
    %squeeze3A_553 = vector.shape_cast %slice3A_552 : vector<1x64x512xf32> to vector<64x512xf32>
    %dot_general3A_554 = arith.constant dense<0.000000e+00> : vector<32x512xf32>
    %dot_general3A_555 = tpu.matmul %squeeze3A_551, %squeeze3A_553, %dot_general3A_554 {dimension_numbers = #tpu.dot_dimension_numbers<[1], [0], [0], [1], [0, 0, 1, 1], [], []>, transpose_lhs_hint = false} : vector<32x64xf32>, vector<64x512xf32>, vector<32x512xf32> -> vector<32x512xf32>
    %add3A_556 = arith.addf %dot_general3A_543, %dot_general3A_549 : vector<32x512xf32>
    %add3A_557 = arith.addf %add3A_556, %dot_general3A_555 : vector<32x512xf32>
    %slice3A_558 = vector.extract_strided_slice %add3A_231 {offsets = [0, 15, 0], sizes = [32, 1, 64], strides = [1, 1, 1]} : vector<32x16x64xf32> to vector<32x1x64xf32>
    %squeeze3A_559 = vector.shape_cast %slice3A_558 : vector<32x1x64xf32> to vector<32x64xf32>
    %dot_general3A_560 = arith.constant dense<0.000000e+00> : vector<32x512xf32>
    %dot_general3A_561 = tpu.matmul %squeeze3A_559, %select_n3A_283, %dot_general3A_560 {dimension_numbers = #tpu.dot_dimension_numbers<[1], [0], [0], [1], [0, 0, 1, 1], [], []>, transpose_lhs_hint = false} : vector<32x64xf32>, vector<64x512xf32>, vector<32x512xf32> -> vector<32x512xf32>
    %slice3A_562 = vector.extract_strided_slice %add3A_244 {offsets = [0, 15, 0], sizes = [32, 1, 64], strides = [1, 1, 1]} : vector<32x16x64xf32> to vector<32x1x64xf32>
    %squeeze3A_563 = vector.shape_cast %slice3A_562 : vector<32x1x64xf32> to vector<32x64xf32>
    %slice3A_564 = vector.extract_strided_slice %select_n3A_272 {offsets = [15, 0, 0], sizes = [1, 64, 512], strides = [1, 1, 1]} : vector<16x64x512xf32> to vector<1x64x512xf32>
    %squeeze3A_565 = vector.shape_cast %slice3A_564 : vector<1x64x512xf32> to vector<64x512xf32>
    %dot_general3A_566 = arith.constant dense<0.000000e+00> : vector<32x512xf32>
    %dot_general3A_567 = tpu.matmul %squeeze3A_563, %squeeze3A_565, %dot_general3A_566 {dimension_numbers = #tpu.dot_dimension_numbers<[1], [0], [0], [1], [0, 0, 1, 1], [], []>, transpose_lhs_hint = false} : vector<32x64xf32>, vector<64x512xf32>, vector<32x512xf32> -> vector<32x512xf32>
    %slice3A_568 = vector.extract_strided_slice %add3A_253 {offsets = [0, 15, 0], sizes = [32, 1, 64], strides = [1, 1, 1]} : vector<32x16x64xf32> to vector<32x1x64xf32>
    %squeeze3A_569 = vector.shape_cast %slice3A_568 : vector<32x1x64xf32> to vector<32x64xf32>
    %slice3A_570 = vector.extract_strided_slice %mul3A_288 {offsets = [15, 0, 0], sizes = [1, 64, 512], strides = [1, 1, 1]} : vector<16x64x512xf32> to vector<1x64x512xf32>
    %squeeze3A_571 = vector.shape_cast %slice3A_570 : vector<1x64x512xf32> to vector<64x512xf32>
    %dot_general3A_572 = arith.constant dense<0.000000e+00> : vector<32x512xf32>
    %dot_general3A_573 = tpu.matmul %squeeze3A_569, %squeeze3A_571, %dot_general3A_572 {dimension_numbers = #tpu.dot_dimension_numbers<[1], [0], [0], [1], [0, 0, 1, 1], [], []>, transpose_lhs_hint = false} : vector<32x64xf32>, vector<64x512xf32>, vector<32x512xf32> -> vector<32x512xf32>
    %add3A_574 = arith.addf %dot_general3A_561, %dot_general3A_567 : vector<32x512xf32>
    %add3A_575 = arith.addf %add3A_574, %dot_general3A_573 : vector<32x512xf32>
    %concatenate3A_576 = tpu.concatenate %add3A_305, %add3A_323, %add3A_341, %add3A_359, %add3A_377, %add3A_395, %add3A_413, %add3A_431, %add3A_449, %add3A_467, %add3A_485, %add3A_503, %add3A_521, %add3A_539, %add3A_557, %add3A_575 in 1 : vector<32x512xf32>, vector<32x512xf32>, vector<32x512xf32>, vector<32x512xf32>, vector<32x512xf32>, vector<32x512xf32>, vector<32x512xf32>, vector<32x512xf32>, vector<32x512xf32>, vector<32x512xf32>, vector<32x512xf32>, vector<32x512xf32>, vector<32x512xf32>, vector<32x512xf32>, vector<32x512xf32>, vector<32x512xf32> -> vector<32x8192xf32>
    %mul3A_577 = arith.constant 5.000000e-01 : f32
    %mul3A_578 = vector.broadcast %mul3A_577 : f32 to vector<32x8192xf32>
    %mul3A_579 = arith.mulf %mul3A_578, %concatenate3A_576 : vector<32x8192xf32>
    %mul3A_580 = arith.constant 0.707106769 : f32
    %mul3A_581 = vector.broadcast %mul3A_580 : f32 to vector<32x8192xf32>
    %mul3A_582 = arith.mulf %concatenate3A_576, %mul3A_581 : vector<32x8192xf32>
    %erf3A = math.erf %mul3A_582 : vector<32x8192xf32>
    %add3A_583 = arith.constant 1.000000e+00 : f32
    %add3A_584 = vector.broadcast %add3A_583 : f32 to vector<32x8192xf32>
    %add3A_585 = arith.addf %add3A_584, %erf3A : vector<32x8192xf32>
    %mul3A_586 = arith.mulf %mul3A_579, %add3A_585 : vector<32x8192xf32>
    %dot_general3A_587 = arith.constant dense<0.000000e+00> : vector<32x8192xf32>
    %dot_general3A_588 = tpu.matmul %get3A_16, %mul3A_586, %dot_general3A_587 {dimension_numbers = #tpu.dot_dimension_numbers<[1], [0], [0], [1], [0, 0, 1, 1], [], []>, transpose_lhs_hint = false} : vector<32x32xf32>, vector<32x8192xf32>, vector<32x8192xf32> -> vector<32x8192xf32>
    %add3A_589 = vector.broadcast %get3A_19 : vector<32x1xf32> to vector<32x8192xf32>
    %add3A_590 = arith.addf %dot_general3A_588, %add3A_589 : vector<32x8192xf32>
    %mul3A_591 = arith.constant 5.000000e-01 : f32
    %mul3A_592 = vector.broadcast %mul3A_591 : f32 to vector<32x8192xf32>
    %mul3A_593 = arith.mulf %mul3A_592, %add3A_590 : vector<32x8192xf32>
    %mul3A_594 = arith.constant 0.707106769 : f32
    %mul3A_595 = vector.broadcast %mul3A_594 : f32 to vector<32x8192xf32>
    %mul3A_596 = arith.mulf %add3A_590, %mul3A_595 : vector<32x8192xf32>
    %erf3A_597 = math.erf %mul3A_596 : vector<32x8192xf32>
    %add3A_598 = arith.constant 1.000000e+00 : f32
    %add3A_599 = vector.broadcast %add3A_598 : f32 to vector<32x8192xf32>
    %add3A_600 = arith.addf %add3A_599, %erf3A_597 : vector<32x8192xf32>
    %mul3A_601 = arith.mulf %mul3A_593, %add3A_600 : vector<32x8192xf32>
    %mul3A_602 = vector.broadcast %get3A_22 : vector<32x1xf32> to vector<32x8192xf32>
    %mul3A_603 = arith.mulf %mul3A_601, %mul3A_602 : vector<32x8192xf32>
    %reduce_sum3A = arith.constant dense<0.000000e+00> : vector<8192xf32>
    %reduce_sum3A_604 = vector.multi_reduction <add>, %mul3A_603, %reduce_sum3A [0] : vector<32x8192xf32> to vector<8192xf32>
    %squeeze3A_605 = vector.shape_cast %get3A_25 : vector<1x8192xf32> to vector<8192xf32>
    %add3A_606 = arith.addf %reduce_sum3A_604, %squeeze3A_605 : vector<8192xf32>
    %broadcast_in_dim3A_607 = vector.shape_cast %add3A_606 : vector<8192xf32> to vector<1x1x8192xf32>
    %swap3A_608 = arith.constant 0 : index
    %swap3A_609 = arith.constant 0 : index
    %swap3A_610 = arith.constant 0 : index
    %swap3A_611 = vector.load %arg16[%swap3A_608, %swap3A_609, %swap3A_610] : memref<1x1x8192xf32, #tpu.memory_space<vmem>>, vector<1x1x8192xf32>
    tpu.vector_store %arg16[%swap3A_608, %swap3A_609, %swap3A_610], %broadcast_in_dim3A_607 {strides = array<i32>} : memref<1x1x8192xf32, #tpu.memory_space<vmem>>, vector<1x1x8192xf32>,
    return
  }
  func.func @transform_0(%arg0: i32) -> (i32, i32) {
    %c0_i32 = arith.constant 0 : i32
    %c0_i32_0 = arith.constant 0 : i32
    return %arg0, %c0_i32 : i32, i32
  }
  func.func @transform_1(%arg0: i32) -> (i32, i32) {
    %c0_i32 = arith.constant 0 : i32
    %c0_i32_0 = arith.constant 0 : i32
    %c0_i32_1 = arith.constant 0 : i32
    return %c0_i32, %c0_i32_0 : i32, i32
  }
  func.func @transform_2(%arg0: i32) -> (i32, i32) {
    %c0_i32 = arith.constant 0 : i32
    %c0_i32_0 = arith.constant 0 : i32
    %c0_i32_1 = arith.constant 0 : i32
    return %c0_i32, %c0_i32_0 : i32, i32
  }
  func.func @transform_3(%arg0: i32) -> (i32, i32) {
    %c0_i32 = arith.constant 0 : i32
    %c0_i32_0 = arith.constant 0 : i32
    %c0_i32_1 = arith.constant 0 : i32
    return %c0_i32, %c0_i32_0 : i32, i32
  }
  func.func @transform_4(%arg0: i32) -> (i32, i32) {
    %c0_i32 = arith.constant 0 : i32
    %c0_i32_0 = arith.constant 0 : i32
    %c0_i32_1 = arith.constant 0 : i32
    return %c0_i32, %c0_i32_0 : i32, i32
  }
  func.func @transform_5(%arg0: i32) -> (i32, i32) {
    %c0_i32 = arith.constant 0 : i32
    %c0_i32_0 = arith.constant 0 : i32
    %c0_i32_1 = arith.constant 0 : i32
    return %c0_i32, %c0_i32_0 : i32, i32
  }
  func.func @transform_6(%arg0: i32) -> (i32, i32) {
    %c0_i32 = arith.constant 0 : i32
    %c0_i32_0 = arith.constant 0 : i32
    %c0_i32_1 = arith.constant 0 : i32
    return %c0_i32, %c0_i32_0 : i32, i32
  }
  func.func @transform_7(%arg0: i32) -> (i32, i32) {
    %c0_i32 = arith.constant 0 : i32
    %c0_i32_0 = arith.constant 0 : i32
    %c0_i32_1 = arith.constant 0 : i32
    return %c0_i32, %c0_i32_0 : i32, i32
  }
  func.func @transform_8(%arg0: i32) -> (i32, i32) {
    %c0_i32 = arith.constant 0 : i32
    %c0_i32_0 = arith.constant 0 : i32
    %c0_i32_1 = arith.constant 0 : i32
    return %c0_i32, %c0_i32_0 : i32, i32
  }
  func.func @transform_9(%arg0: i32) -> (i32, i32) {
    %c0_i32 = arith.constant 0 : i32
    %c0_i32_0 = arith.constant 0 : i32
    %c0_i32_1 = arith.constant 0 : i32
    return %c0_i32, %c0_i32_0 : i32, i32
  }
  func.func @transform_10(%arg0: i32) -> (i32, i32) {
    %c0_i32 = arith.constant 0 : i32
    %c0_i32_0 = arith.constant 0 : i32
    %c0_i32_1 = arith.constant 0 : i32
    return %c0_i32, %c0_i32_0 : i32, i32
  }
  func.func @transform_11(%arg0: i32) -> (i32, i32) {
    %c0_i32 = arith.constant 0 : i32
    %c0_i32_0 = arith.constant 0 : i32
    %c0_i32_1 = arith.constant 0 : i32
    return %c0_i32, %c0_i32_0 : i32, i32
  }
  func.func @transform_12(%arg0: i32) -> (i32, i32) {
    %c0_i32 = arith.constant 0 : i32
    %c0_i32_0 = arith.constant 0 : i32
    %c0_i32_1 = arith.constant 0 : i32
    return %c0_i32, %c0_i32_0 : i32, i32
  }
  func.func @transform_13(%arg0: i32) -> (i32, i32) {
    %c0_i32 = arith.constant 0 : i32
    %c0_i32_0 = arith.constant 0 : i32
    return %arg0, %c0_i32 : i32, i32
  }
  func.func @transform_14(%arg0: i32) -> (i32, i32) {
    %c0_i32 = arith.constant 0 : i32
    %c0_i32_0 = arith.constant 0 : i32
    return %arg0, %c0_i32 : i32, i32
  }
  func.func @transform_15(%arg0: i32) -> (i32, i32, i32) {
    %c0_i32 = arith.constant 0 : i32
    %c0_i32_0 = arith.constant 0 : i32
    %c0_i32_1 = arith.constant 0 : i32
    return %arg0, %c0_i32, %c0_i32_0 : i32, i32, i32
  }
}

</mosaic_0001>

<sc_bundles>
// kernel: kernel.4.cloned.1.call-start
scs
__scs_entry_jumppad:
0x0: {  	(pc) =	sbr.rel $0x88, $3  }
0x1: {  	(tag) =	ssettag $0x0;
	lr =	simm.s32 $0x1  }
0x2: {  	[smem:$0x3F93] =	sst lr;
	_ =	strace $0xD0000000  }
0x3: {  	_ = 	snop  }
0x4: {  	_ = 	snop  }
0x5: {  	_ = 	snop  }
0x6: {  	_ = 	snop  }
0x7: {  	_ = 	snop  }
__scs_overlays_trampoline_lowered:
0x8: {  	[smem:$0x3FA2] =	sst s0  }
0x9: {  	[smem:$0x3FA3] =	sst s1  }
0xa: {  	[smem:$0x3FA4] =	sst s2  }
0xb: {  	[smem:$0x3FA5] =	sst s3  }
0xc: {  	[smem:$0x3FA6] =	sst s4  }
0xd: {  	[smem:$0x3FA7] =	sst s5  }
0xe: {  	[smem:$0x3FA8] =	sst s6  }
0xf: {  	[smem:$0x3FA9] =	sst s7  }
0x10: {  	[smem:$0x3FAA] =	sst s8  }
0x11: {  	[smem:$0x3FAB] =	sst s9;
	s0 =	simm.s32 @!p0 $0x0  }
0x12: {  	s1 =	sld [smem:$0x3F91];
	s0 =	simm.s32 @p0 $0x1  }
0x13: {  	[smem:$0x3FAC] =	sst s0;
	s0 =	simm.s32 @!p1 $0x0  }
0x14: {  	s2 =	sld [smem:$0x3F90];
	s0 =	simm.s32 @p1 $0x1  }
0x15: {  	[smem:$0x3FAD] =	sst s0;
	s0 =	simm.s32 @!p2 $0x0  }
0x16: {  	s3 =	sld [smem:$0x3FDB];
	s0 =	simm.s32 @p2 $0x1  }
0x17: {  	s4 =	simm.s32 $0x1BF5;
	[smem:$0x3FAF] =	sst s0  }
0x18: {  	s0 =	sld [smem:$0x3F92];
	_ =	swait.ge [sflag:s4], $0x0  }
0x19: {  	s7 =	sld [smem:$0x3F93]  }
0x1a: {  	s8 =	sadd.s32 $0xFFFFE003, lr  }
0x1b: {  	s9 =	sadd.s32 $0xFFFFFEF7, lr;
	s5 =	simm.s32 $0xFFFFFFFF;
	p2 =	slt.u32 s8, $0xFFFFF086  }
0x1c: {  	p1 =	slt.u32 s9, $0xF7A;
	s5 =	simm.s32 @!p2 $0x0  }
0x1d: {  	s5 =	simm.s32 @p1 $0x1;
	p0 =	seq.s32 s7, s2  }
0x1e: {  	s7 =	smul.u32 @!p0 $0xF7A, s2;
	p2 =	seq.s32 @!p0 s5, $0x0  }
0x1f: {  	s9 =	smul.u32 $0xF7A, s1;
	s8 =	simm.s32 @!p0 $0x1BF5;
	p2 =	por !p2, p0  }
0x20: {  	[sflag:s8] =	ssyncset.s32 @!p0 $0xFFFFF086;
	s6 =	sadd.s32 @!p0 s3, s7;
	s7 =	simm.s32 @!p0 $0x108  }
0x21: {  	s3 =	sadd.s32 s3, s9;
	s6 =	sadd.s32 @!p0 $0x88, s6;
	s7 =	simm.s32 @p2 $0x1082  }
0x22: {  	[simem:s7], [sflag:s8] =	dma.local @!p0 [hbm:s6], $0xF7A  }
0x23: {  	s9 =	sor.u32 $0xD0000000, s2;
	s6 =	simm.s32 $0x108;
	_ =	swait.ge @!p0 [sflag:s8], $0x0  }
0x24: {  	s3 =	sadd.s32 $0x88, s3;
	s6 =	simm.s32 @!p1 $0x1082;
	[sflag:s4] =	ssyncset.s32 $0xFFFFF086  }
0x25: {  	[simem:s6], [sflag:s4] =	dma.local [hbm:s3], $0xF7A  }
0x26: {  	[smem:$0x3F93] =	sst s1;
	(tag) =	ssettag s2;
	_ =	strace s9  }
0x27: {  	s1 =	sld [smem:$0x3FA3]  }
0x28: {  	s2 =	sld [smem:$0x3FA4]  }
0x29: {  	s4 =	sld [smem:$0x3FA6]  }
0x2a: {  	p0 =	seq.s32 s5, $0x0;
	s5 =	sld [smem:$0x3FA7]  }
0x2b: {  	s6 =	sld [smem:$0x3FA8]  }
0x2c: {  	s7 =	sld [smem:$0x3FA9]  }
0x2d: {  	s3 =	simm.s32 $0x108;
	s8 =	sld [smem:$0x3FAA]  }
0x2e: {  	s3 =	simm.s32 @!p0 $0x1082;
	s9 =	sld [smem:$0x3FAB]  }
0x2f: {  	lr =	sadd.s32 s0, s3;
	s0 =	sld [smem:$0x3FA2]  }
0x30: {  	s3 =	sld [smem:$0x3FA5]  }
0x31: {  	[smem:$0x3FAE] =	sst s10  }
0x32: {  	s10 =	sld [smem:$0x3FAC];
	_ =	sdelay $0x3  }
0x33: {  	p0 =	seq.s32 s10, $0x1;
	s10 =	sld [smem:$0x3FAE];
	_ =	sdelay $0x3  }
0x34: {  	[smem:$0x3FAE] =	sst s10  }
0x35: {  	s10 =	sld [smem:$0x3FAD];
	_ =	sdelay $0x3  }
0x36: {  	p1 =	seq.s32 s10, $0x1;
	s10 =	sld [smem:$0x3FAE];
	_ =	sdelay $0x3  }
0x37: {  	[smem:$0x3FAE] =	sst s10  }
0x38: {  	s10 =	sld [smem:$0x3FAF]  }
0x39: {  	_ = 	snop;
	(pc) =	sbr.ind lr, $3  }
0x3a: {  	_ = 	snop  }
0x3b: {  	_ = 	snop  }
0x3c: {  	p2 =	seq.s32 s10, $0x1;
	s10 =	sld [smem:$0x3FAE]  }
0x3d: {  	_ =	shalt  }
0x3e: {  	_ =	shalt  }
0x3f: {  	_ =	shalt  }
0x40: {  	_ =	shalt  }
0x41: {  	_ =	shalt  }
0x42: {  	_ =	shalt  }
0x43: {  	_ =	shalt  }
0x44: {  	_ =	shalt  }
0x45: {  	_ =	shalt  }
0x46: {  	_ =	shalt  }
0x47: {  	_ =	shalt  }
0x48: {  	_ =	shalt  }
0x49: {  	_ =	shalt  }
0x4a: {  	_ =	shalt  }
0x4b: {  	_ =	shalt  }
0x4c: {  	_ =	shalt  }
0x4d: {  	_ =	shalt  }
0x4e: {  	_ =	shalt  }
0x4f: {  	_ =	shalt  }
0x50: {  	_ =	shalt  }
0x51: {  	_ =	shalt  }
0x52: {  	_ =	shalt  }
0x53: {  	_ =	shalt  }
0x54: {  	_ =	shalt  }
0x55: {  	_ =	shalt  }
0x56: {  	_ =	shalt  }
0x57: {  	_ =	shalt  }
0x58: {  	_ =	shalt  }
0x59: {  	_ =	shalt  }
0x5a: {  	_ =	shalt  }
0x5b: {  	_ =	shalt  }
0x5c: {  	_ =	shalt  }
0x5d: {  	_ =	shalt  }
0x5e: {  	_ =	shalt  }
0x5f: {  	_ =	shalt  }
0x60: {  	_ =	shalt  }
0x61: {  	_ =	shalt  }
0x62: {  	_ =	shalt  }
0x63: {  	_ =	shalt  }
0x64: {  	_ =	shalt  }
0x65: {  	_ =	shalt  }
0x66: {  	_ =	shalt  }
0x67: {  	_ =	shalt  }
0x68: {  	_ =	shalt  }
0x69: {  	_ =	shalt  }
0x6a: {  	_ =	shalt  }
0x6b: {  	_ =	shalt  }
0x6c: {  	_ =	shalt  }
0x6d: {  	_ =	shalt  }
0x6e: {  	_ =	shalt  }
0x6f: {  	_ =	shalt  }
0x70: {  	_ =	shalt  }
0x71: {  	_ =	shalt  }
0x72: {  	_ =	shalt  }
0x73: {  	_ =	shalt  }
0x74: {  	_ =	shalt  }
0x75: {  	_ =	shalt  }
0x76: {  	_ =	shalt  }
0x77: {  	_ =	shalt  }
0x78: {  	_ =	shalt  }
0x79: {  	_ =	shalt  }
0x7a: {  	_ =	shalt  }
0x7b: {  	_ =	shalt  }
0x7c: {  	_ =	shalt  }
0x7d: {  	_ =	shalt  }
0x7e: {  	_ =	shalt  }
0x7f: {  	_ =	shalt  }
0x80: {  	_ =	shalt  }
0x81: {  	_ =	shalt  }
0x82: {  	_ =	shalt  }
0x83: {  	_ =	shalt  }
0x84: {  	_ =	shalt  }
0x85: {  	_ =	shalt  }
0x86: {  	_ =	shalt  }
0x87: {  	_ =	shalt  }
.Lfunc_end0:
.L_simem_size_0:
called_computation_lowered:
.L_overlay_start_0:
0x88: {  	s2 =	sld [smem:$0x3FD9]  }
0x89: {  	s3 =	sld [smem:$0x3FFE];
	_ =	sdelay $0x1  }
0x8a: {  	s1 =	srdreg.scid  }
0x8b: {  	s0 =	sand.u32 $0x1, s1  }
0x8c: {  	s14 =	sshll.u32 s0, $0xA;
	s2 =	sadd.s32 s3, s2  }
0x8d: {  	s2 =	sadd.s32 s2, s14  }
0x8e: {  	[smem:$0x3FBA] =	sst s2  }
0x8f: {  	_ = 	snop  }
0x90: {  	s2 =	sld [smem:$0x3FD0];
	_ =	sdelay $0x2  }
0x91: {  	s4 =	simm.s32 $0xA;
	s5 =	simm.s32 $0x10;
	s15 =	sld [smem:$0x3FBC]  }
0x92: {  	[smem:s5], [sflag:s4] =	dma.local [hbm:s2], $0x1  }
0x93: {  	_ =	swait.eq [sflag:s4], $0x1  }
0x94: {  	[sflag:s4] =	ssyncset.done $0x0  }
0x95: {  	[sflag:s4] =	ssyncadd.s32 $0xFFFFFFFF  }
0x96: {  	s16 =	sld [smem:$0x11];
	(tm) =	ssettm $0x1  }
0x97: {  	s17 =	sld [smem:$0x3FFB];
	_ =	sdelay $0x3  }
0x98: {  	_ =	strace s17  }
0x99: {  	s4 =	sld [smem:$0x3FFC];
	_ =	sdelay $0x3  }
0x9a: {  	_ =	strace s4  }
0x9b: {  	s4 =	sld [smem:$0x3FFD];
	_ =	sdelay $0x3  }
0x9c: {  	_ =	strace s4  }
0x9d: {  	_ =	strace $0x8FFFFFFF  }
0x9e: {  	s18 =	sld [smem:$0x3FDB];
	_ =	sdelay $0x1  }
0x9f: {  	s19 =	simm.s32 $_scs_section_size  }
0xa0: {  	s6 =	simm.s32 $_size__tile_overlayer_lowered;
	s7 =	simm.s32 $_tile_overlayer_lowered  }
0xa1: {  	s22 =	simm.s32 $0x1BFF;
	s21 =	sshll.u32 s7, $0x1;
	s4 =	sadd.s32 s19, s18  }
0xa2: {  	s8 =	simm.s32 $0x0;
	s20 =	sshll.u32 s6, $0x1;
	s6 =	sadd.s32 s21, s4  }
0xa3: {  	[timem:s8], [sflag:s22] =	dma.local [hbm:s6], s20  }
0xa4: {  	_ =	swait.ge [sflag:s22], s20  }
0xa5: {  	s5 =	ssub.s32 $0x0, s20;
	[sflag:s22] =	ssyncset.done $0x0  }
0xa6: {  	[sflag:s22] =	ssyncadd.s32 s5;
	_ =	sdelay $0x1  }
0xa7: {  	s23 =	simm.s32 $0x1B8B  }
0xa8: {  	_ =	swait.ge [sflag:s23], $0x1  }
0xa9: {  	[sflag:s23] =	ssyncset.done $0x0  }
0xaa: {  	s25 =	simm.s32 $0x1B8E;
	s24 =	sld [smem:$0x3FFE];
	[sflag:s23] =	ssyncadd.s32 $0xFFFFFFFF  }
0xab: {  	s26 =	simm.s32 $execute0_lowered;
	[smem:$0x3FD2] =	sst s25  }
0xac: {  	s6 =	sshll.u32 s26, $0x1;
	_ =	strace $0x80000046;
	[dreg:$0x1] =	wrdreg $0xFFFFFFFF  }
0xad: {  	s28 =	simm.s32 $_size_execute0_lowered;
	s4 =	sadd.s32 s4, s6;
	[dreg:$0x0] =	wrdreg $0x0  }
0xae: {  	s6 =	sshll.u32 s28, $0x1;
	[dreg:$0x2] =	wrdreg s4  }
0xaf: {  	[dreg:$0x3] =	wrdreg s6  }
0xb0: {  	[dreg:$0x4] =	wrdreg $0xC0  }
0xb1: {  	_ =	task [dreg:s8], $0x5FFFF  }
0xb2: {  	[dreg:$0x1] =	wrdreg $0xFFFFFFFF  }
0xb3: {  	[dreg:$0x0] =	wrdreg $0x60  }
0xb4: {  	[dreg:$0x2] =	wrdreg s16  }
0xb5: {  	[dreg:$0x3] =	wrdreg s24  }
0xb6: {  	[dreg:$0x4] =	wrdreg s15  }
0xb7: {  	[dreg:$0x5] =	wrdreg $0x9  }
0xb8: {  	_ =	task.clear_ibuf [dreg:s8], $0x6FFFF;
	_ =	strace $0x90000046  }
0xb9: {  	s29 =	simm.s32 $0x9;
	_ =	strace $0x80000048  }
0xba: {  	_ =	swait.ge [sflag:s29], $0x1  }
0xbb: {  	[sflag:s29] =	ssyncadd.s32 $0xFFFFFFFF  }
0xbc: {  	_ =	strace $0x90000048  }
0xbd: {  	_ =	sfence  }
0xbe: {  	s30 =	sld [smem:$0x0];
	_ =	sdelay $0x2  }
0xbf: {  	s31 =	sshll.u32 s1, $0xD;
	s1 =	sshrl.u32 s1, $0x2  }
0xc0: {  	s3 =	sand.u32 $0x4000, s31;
	s1 =	sadd.s32 s1, s30  }
0xc1: {  	s0 =	sor.u32 s3, s0;
	s1 =	sshll.u32 s1, $0x11  }
0xc2: {  	s0 =	sor.u32 s1, s0  }
0xc3: {  	s0 =	sadd.s32 $0x8F2B, s0  }
0xc4: {  	[sflag:s0] =	ssyncadd.remote.s32 $0x1  }
0xc5: {  	_ =	sfence.sel $0xFFFF  }
0xc6: {  	[dreg:$0x0] =	wrdreg $0xFFFFFFFF;
	(pc) =	sbr.abs _section_cstart, $3  }
0xc7: {  	[dreg:$0x1] =	wrdreg $0xFFFFFFFF  }
0xc8: {  	_ =	task.clear_ibuf [dreg:s8], $0x2FFFF;
	_ =	strace $0x9FFFFFFF  }
0xc9: {  	(tm) =	ssettm $0x7FFFFFFF  }
tec
execute0_lowered:
.L_overlay_start_1:
0x0: {  	(tag) =	ssettag $0x1  }
0x1: {  	s4 =	rddreg [dreg:$0x0]  }
0x2: {  	s5 =	rddreg [dreg:$0x1]  }
0x3: {  	s2 =	rddreg [dreg:$0x2]  }
0x4: {  	s0 =	rddreg [dreg:$0x3]  }
0x5: {  	s6 =	srdreg.scid;
	s1 =	stileid.u32;
	s3 =	simm.s32 $0x0  }
0x6: {  	s13 =	simm.s32 $0x3000;
	s14 =	simm.s32 $0x3080;
	s15 =	simm.s32 $0xB080  }
0x7: {  	s6 =	sand.u32 $0x1, s6;
	s7 =	sshll.u32 s1, $0x1;
	[smem:$0x7FF] =	sst s3  }
0x8: {  	s16 =	simm.s32 $0x0;
	s7 =	sor.u32 s6, s7;
	_ =	strace $0x80000047  }
0x9: {  	s6 =	ssub.s32 $0x2, s6;
	s8 =	sshll.u32 s7, $0x9;
	s10 =	sshll.u32 s7, $0xC  }
0xa: {  	s7 =	sshll.u32 s7, $0x6;
	s11 =	sshrl.u32 s6, $0x1;
	s9 =	sadd.s32 s8, s5  }
0xb: {  	s10 =	sadd.s32 s10, s5;
	s12 =	sadd.s32 s7, s5;
	s11 =	ssub.s32 s6, s11  }
0xc: {  	s4 =	sadd.s32 s4, s8;
	s5 =	sadd.s32 $0x5C00, s9;
	s6 =	sadd.s32 $0x1C00, s9  }
0xd: {  	s7 =	sadd.s32 $0xA400, s10;
	s8 =	sadd.s32 $0x9C00, s12;
	s9 =	smax.u32 s11, $0x1  }
0xe: {  	v0 =	vimm.f32 $0.0e+00;
	v1 =	vlaneseq.u32;
	s10 =	simm.s32 $0x1;
	s11 =	simm.s32 $0x1000;
	s12 =	simm.s32 $0x2000  }
.LBB2_1:
0xf: {  	[tilespmem:s3], [sflag:$0x1] =	stream.linear.gather [hbm4b:s4+s3], $0x1000, $0x38;
	[tilespmem:$0xB280] =	vst v63  }
0x10: {  	_ =	swait.ge [sflag:s10], $0x1000  }
0x11: {  	[sflag:s10] =	ssyncset.done $0x0  }
0x12: {  	[sflag:s10] =	ssyncadd.s32 $0xFFFFF000  }
0x13: {  	[tilespmem:s11], [sflag:$0x1] =	stream.linear.gather [hbm4b:s5+s3], $0x1000, $0x38;
	[tilespmem:$0xB280] =	vst v63  }
0x14: {  	_ =	swait.ge [sflag:s10], $0x1000  }
0x15: {  	[sflag:s10] =	ssyncset.done $0x0  }
0x16: {  	[sflag:s10] =	ssyncadd.s32 $0xFFFFF000  }
0x17: {  	[tilespmem:s12], [sflag:$0x1] =	stream.linear.gather [hbm4b:s6+s3], $0x1000, $0x38;
	[tilespmem:$0xB280] =	vst v63  }
0x18: {  	_ =	swait.ge [sflag:s10], $0x1000  }
0x19: {  	[sflag:s10] =	ssyncset.done $0x0  }
0x1a: {  	[sflag:s10] =	ssyncadd.s32 $0xFFFFF000  }
0x1b: {  	[tilespmem:s13], [sflag:$0x1] =	stream.linear.gather [hbm4b:s2+s3], $0x80, $0x38;
	[tilespmem:$0xB280] =	vst v63  }
0x1c: {  	_ =	swait.ge [sflag:s10], $0x80  }
0x1d: {  	[sflag:s10] =	ssyncset.done $0x0  }
0x1e: {  	s18 =	simm.s32 $0x30C0;
	[sflag:s10] =	ssyncadd.s32 $0xFFFFFF80  }
0x1f: {  	[tilespmem:s18+$0xFFFFFFC0] =	vst v0  }
0x20: {  	[tilespmem:s18+$0x30] =	vst v0  }
0x21: {  	[tilespmem:s18+$0x20] =	vst v0  }
0x22: {  	[tilespmem:s18+$0x10] =	vst v0  }
0x23: {  	[tilespmem:s18+$0x0] =	vst v0  }
0x24: {  	[tilespmem:s18+$0xFFFFFFF0] =	vst v0  }
0x25: {  	s19 =	simm.s32 $0x0;
	[tilespmem:s18+$0xFFFFFFE0] =	vst v0  }
.LBB2_2:
0x26: {  	s19 =	sadd.s32 $0x8, s19;
	[tilespmem:s18+$0xFFFFFFD0] =	vst v0;
	s18 =	sadd.s32 $0x80, s18  }
0x27: {  	[tilespmem:s18+$0xFFFFFFC0] =	vst v0;
	p0 =	slt.u32 s19, $0x7F8  }
0x28: {  	[tilespmem:s18+$0x30] =	vst v0  }
.Ltmp0:
0x29: {  	[tilespmem:s18+$0x20] =	vst v0;
	(pc) =	sbr.rel @p0 .LBB2_2-.Ltmp0, $4  }
0x2a: {  	[tilespmem:s18+$0x10] =	vst v0  }
0x2b: {  	[tilespmem:s18+$0x0] =	vst v0  }
0x2c: {  	[tilespmem:s18+$0xFFFFFFF0] =	vst v0  }
0x2d: {  	s17 =	simm.s32 $0xB080;
	[tilespmem:s18+$0xFFFFFFE0] =	vst v0  }
0x2e: {  	s19 =	simm.s32 $0x0  }
0x2f: {  	v2 =	vor.u32 s19, v1  }
0x30: {  	v3 =	vshll.u32 v2, $0x3  }
0x31: {  	v4 =	vor.u32 $0x1, v3;
	_ =	sdelay $0x1  }
0x32: {  	v5 =	vor.u32 $0x2, v3  }
0x33: {  	[tilespmem:s18+$0xFFFFFFD0] =	vst v0  }
0x34: {  	v6 =	vor.u32 $0x3, v3;
	v7 =	vld.idx.msk [tilespmem:v3+s3+$0x0], $0xffff  }
0x35: {  	v8 =	vld.idx.msk [tilespmem:v4+s3+$0x0], $0xffff  }
0x36: {  	v9 =	vor.u32 $0x4, v3  }
0x37: {  	v10 =	vld.idx.msk [tilespmem:v5+s3+$0x0], $0xffff  }
0x38: {  	v11 =	vor.u32 $0x5, v3  }
0x39: {  	v14 =	vor.u32 $0x6, v3;
	v12 =	vld.idx.msk [tilespmem:v6+s3+$0x0], $0xffff;
	v13 =	vsub.f32 v7, v7  }
0x3a: {  	v8 =	vsub.f32 v8, v7  }
0x3b: {  	v16 =	vor.u32 $0x7, v3;
	v15 =	vld.idx.msk [tilespmem:v9+s3+$0x0], $0xffff;
	v13 =	vmul.f32 $1.442695020e+00, v13  }
0x3c: {  	v10 =	vsub.f32 v10, v7;
	v8 =	vmul.f32 $1.442695020e+00, v8  }
0x3d: {  	v17 =	vld.idx.msk [tilespmem:v11+s3+$0x0], $0xffff;
	(erf) = vpow2.f32 v13  }
0x3e: {  	v12 =	vsub.f32 v12, v7;
	v10 =	vmul.f32 $1.442695020e+00, v10;
	(erf) = vpow2.f32 v8;
	v8 =	vld.idx.msk [tilespmem:v14+s3+$0x0], $0xffff;
	_ =	sdelay $0x1  }
0x3f: {  	v51 =	vsub.f32 v15, v7;
	v12 =	vmul.f32 $1.442695020e+00, v12;
	(erf) = vpow2.f32 v10;
	v10 =	vld.idx.msk [tilespmem:v16+s3+$0x0], $0xffff;
	_ =	sdelay $0x1  }
0x40: {  	v52 =	vsub.f32 v17, v7;
	v13 =	vmul.f32 $1.442695020e+00, v51;
	(erf) = vpow2.f32 v12  }
0x41: {  	v8 =	vsub.f32 v8, v7  }
0x42: {  	v53 =	vmul.f32 $1.442695020e+00, v52;
	(erf) = vpow2.f32 v13  }
0x43: {  	v7 =	vsub.f32 v10, v7;
	v8 =	vmul.f32 $1.442695020e+00, v8  }
0x44: {  	v10 =	vpop (erf);
	(erf) = vpow2.f32 v53  }
0x45: {  	v7 =	vmul.f32 $1.442695020e+00, v7;
	v54 =	vpop (erf)  }
0x46: {  	(erf) = vpow2.f32 v8;
	v55 =	vadd.f32 v54, v10  }
0x47: {  	v8 =	vpop (erf)  }
0x48: {  	(erf) = vpow2.f32 v7;
	v13 =	vadd.f32 v8, v55  }
0x49: {  	v7 =	vpop (erf)  }
0x4a: {  	v13 =	vadd.f32 v7, v13  }
0x4b: {  	v56 =	vpop (erf)  }
0x4c: {  	v13 =	vadd.f32 v56, v13  }
0x4d: {  	v57 =	vpop (erf)  }
0x4e: {  	v13 =	vadd.f32 v57, v13  }
0x4f: {  	v18 =	vpop (erf)  }
0x50: {  	v13 =	vadd.f32 v18, v13  }
0x51: {  	v19 =	vpop (erf)  }
0x52: {  	v13 =	vadd.f32 v19, v13;
	_ =	sdelay $0x1  }
0x53: {  	(erf) = vrcp.f32 v13;
	_ =	sdelay $0x4  }
0x54: {  	v22 =	vld.idx.msk [tilespmem:v3+s12+$0x0], $0xffff  }
0x55: {  	v3 =	vld.idx.msk [tilespmem:v3+s11+$0x0], $0xffff  }
0x56: {  	v20 =	vld.idx.msk [tilespmem:v6+s12+$0x0], $0xffff  }
0x57: {  	v21 =	vld.idx.msk [tilespmem:v11+s12+$0x0], $0xffff  }
0x58: {  	v24 =	vld.idx.msk [tilespmem:v4+s12+$0x0], $0xffff;
	v25 =	vpop (erf)  }
0x59: {  	v23 =	vld.idx.msk [tilespmem:v9+s12+$0x0], $0xffff;
	v10 =	vmul.f32 v25, v10  }
0x5a: {  	v26 =	vld.idx.msk [tilespmem:v5+s12+$0x0], $0xffff  }
0x5b: {  	v4 =	vld.idx.msk [tilespmem:v4+s11+$0x0], $0xffff;
	v12 =	vmul.f32 v25, v54;
	v22 =	vmul.f32 v22, v10  }
0x5c: {  	v2 =	vshll.u32 v2, $0x6;
	v5 =	vld.idx.msk [tilespmem:v5+s11+$0x0], $0xffff  }
0x5d: {  	v6 =	vld.idx.msk [tilespmem:v6+s11+$0x0], $0xffff;
	v8 =	vmul.f32 v25, v8;
	v24 =	vmul.f32 v24, v12;
	v22 =	vadd.f32 $0.0e+00, v22  }
0x5e: {  	v9 =	vld.idx.msk [tilespmem:v9+s11+$0x0], $0xffff;
	v3 =	vadd.s32 v2, v3  }
0x5f: {  	v11 =	vld.idx.msk [tilespmem:v11+s11+$0x0], $0xffff;
	v7 =	vmul.f32 v25, v7;
	v59 =	vmul.f32 v26, v8;
	v22 =	vadd.f32 v24, v22  }
0x60: {  	v27 =	vld.idx.msk [tilespmem:v14+s12+$0x0], $0xffff  }
0x61: {  	v14 =	vld.idx.msk [tilespmem:v14+s11+$0x0], $0xffff;
	v15 =	vmul.f32 v25, v56;
	v20 =	vmul.f32 v20, v7;
	v22 =	vadd.f32 v59, v22  }
0x62: {  	v60 =	vld.idx.msk [tilespmem:v16+s12+$0x0], $0xffff;
	v4 =	vadd.s32 v2, v4;
	v5 =	vadd.s32 v2, v5  }
0x63: {  	s31 =	sand.u32 $0x30, s19;
	v16 =	vld.idx.msk [tilespmem:v16+s11+$0x0], $0xffff;
	v17 =	vmul.f32 v25, v57;
	v61 =	vmul.f32 v23, v15;
	v20 =	vadd.f32 v20, v22  }
0x64: {  	v58 =	vld [tilespmem:s31+$0x3000];
	v6 =	vadd.s32 v2, v6;
	v9 =	vadd.s32 v2, v9;
	[tilespmem:v3+s14+$0x0] =	vst.idx.msk $0xffff, v10  }
0x65: {  	v3 =	vmul.f32 v25, v18;
	v62 =	vmul.f32 v21, v17;
	v10 =	vadd.f32 v61, v20  }
0x66: {  	v11 =	vadd.s32 v2, v11;
	v14 =	vadd.s32 v2, v14;
	v63 =	vmul.f32 v25, v19  }
0x67: {  	[tilespmem:v4+s14+$0x0] =	vst.idx.msk $0xffff, v12;
	v4 =	vadd.f32 v62, v10;
	v10 =	vmul.f32 v27, v3  }
0x68: {  	s18 =	simm.s32 $0x10;
	v2 =	vadd.s32 v2, v16;
	[tilespmem:v5+s14+$0x0] =	vst.idx.msk $0xffff, v8  }
0x69: {  	[tilespmem:v6+s14+$0x0] =	vst.idx.msk $0xffff, v7;
	v6 =	vmul.f32 v60, v63;
	v5 =	vadd.f32 v10, v4;
	v4 =	vor.u32 s18, v1  }
0x6a: {  	[tilespmem:v9+s14+$0x0] =	vst.idx.msk $0xffff, v15;
	v10 =	vshll.u32 v4, $0x3  }
0x6b: {  	[tilespmem:v11+s14+$0x0] =	vst.idx.msk $0xffff, v17;
	v11 =	vadd.f32 v6, v5;
	v5 =	vor.u32 $0x1, v10;
	v9 =	vor.u32 $0x2, v10  }
0x6c: {  	[tilespmem:v14+s14+$0x0] =	vst.idx.msk $0xffff, v3;
	v8 =	vor.u32 $0x3, v10;
	v7 =	vor.u32 $0x4, v10;
	v6 =	vor.u32 $0x5, v10  }
0x6d: {  	s19 =	simm.s32 $0x20;
	[tilespmem:v2+s14+$0x0] =	vst.idx.msk $0xffff, v63;
	v3 =	vor.u32 $0x6, v10;
	v2 =	vor.u32 $0x7, v10;
	v11 =	vadd.f32 v11, v58  }
.LBB2_4:
0x6e: {  	p0 =	sne.s32 s19, $0x1F0  }
0x6f: {  	[tilespmem:s17+$0x0] =	vst v11;
	s17 =	sadd.s32 $0x10, s17;
	s20 =	smov.u32 s19;
	s19 =	sadd.s32 $0x10, s19  }
0x70: {  	v11 =	vld.idx.msk [tilespmem:v10+s3+$0x0], $0xffff  }
0x71: {  	v12 =	vld.idx.msk [tilespmem:v5+s3+$0x0], $0xffff;
	_ =	sdelay $0x1  }
0x72: {  	v13 =	vld.idx.msk [tilespmem:v9+s3+$0x0], $0xffff;
	_ =	sdelay $0x1  }
0x73: {  	v14 =	vld.idx.msk [tilespmem:v8+s3+$0x0], $0xffff  }
0x74: {  	v15 =	vsub.f32 v11, v11  }
0x75: {  	v12 =	vsub.f32 v12, v11;
	v16 =	vld.idx.msk [tilespmem:v7+s3+$0x0], $0xffff  }
0x76: {  	v15 =	vmul.f32 $1.442695020e+00, v15  }
0x77: {  	v12 =	vmul.f32 $1.442695020e+00, v12;
	v13 =	vsub.f32 v13, v11;
	v17 =	vld.idx.msk [tilespmem:v6+s3+$0x0], $0xffff  }
0x78: {  	(erf) = vpow2.f32 v15  }
0x79: {  	v13 =	vmul.f32 $1.442695020e+00, v13;
	v14 =	vsub.f32 v14, v11;
	v15 =	vld.idx.msk [tilespmem:v3+s3+$0x0], $0xffff;
	(erf) = vpow2.f32 v12;
	_ =	sdelay $0x1  }
0x7a: {  	v14 =	vmul.f32 $1.442695020e+00, v14;
	v16 =	vsub.f32 v16, v11;
	v12 =	vld.idx.msk [tilespmem:v2+s3+$0x0], $0xffff;
	(erf) = vpow2.f32 v13;
	_ =	sdelay $0x1  }
0x7b: {  	v13 =	vmul.f32 $1.442695020e+00, v16;
	v16 =	vsub.f32 v17, v11;
	(erf) = vpow2.f32 v14;
	_ =	sdelay $0x1  }
0x7c: {  	v16 =	vmul.f32 $1.442695020e+00, v16;
	v15 =	vsub.f32 v15, v11;
	(erf) = vpow2.f32 v13;
	_ =	sdelay $0x1  }
0x7d: {  	v17 =	vmul.f32 $1.442695020e+00, v15;
	v11 =	vsub.f32 v12, v11;
	v12 =	vpop (erf);
	(erf) = vpow2.f32 v16  }
0x7e: {  	v14 =	vpop (erf)  }
0x7f: {  	v16 =	vmul.f32 $1.442695020e+00, v11;
	v15 =	vadd.f32 v14, v12;
	(erf) = vpow2.f32 v17  }
0x80: {  	v13 =	vpop (erf)  }
0x81: {  	v15 =	vadd.f32 v13, v15;
	(erf) = vpow2.f32 v16  }
0x82: {  	v11 =	vpop (erf)  }
0x83: {  	v15 =	vadd.f32 v11, v15  }
0x84: {  	v16 =	vpop (erf)  }
0x85: {  	v15 =	vadd.f32 v16, v15  }
0x86: {  	v17 =	vpop (erf)  }
0x87: {  	s21 =	sand.u32 $0x30, s18;
	s18 =	smov.u32 s20;
	v15 =	vadd.f32 v17, v15  }
0x88: {  	v18 =	vld [tilespmem:s21+$0x3000];
	v19 =	vpop (erf)  }
0x89: {  	v20 =	vld.idx.msk [tilespmem:v8+s12+$0x0], $0xffff;
	v15 =	vadd.f32 v19, v15  }
0x8a: {  	v21 =	vld.idx.msk [tilespmem:v6+s12+$0x0], $0xffff;
	v22 =	vpop (erf)  }
0x8b: {  	v23 =	vld.idx.msk [tilespmem:v7+s12+$0x0], $0xffff;
	v15 =	vadd.f32 v22, v15  }
0x8c: {  	v24 =	vld.idx.msk [tilespmem:v9+s12+$0x0], $0xffff  }
0x8d: {  	v25 =	vld.idx.msk [tilespmem:v10+s12+$0x0], $0xffff;
	(erf) = vrcp.f32 v15  }
0x8e: {  	v10 =	vld.idx.msk [tilespmem:v10+s11+$0x0], $0xffff  }
0x8f: {  	v15 =	vld.idx.msk [tilespmem:v5+s11+$0x0], $0xffff  }
0x90: {  	v9 =	vld.idx.msk [tilespmem:v9+s11+$0x0], $0xffff  }
0x91: {  	v8 =	vld.idx.msk [tilespmem:v8+s11+$0x0], $0xffff  }
0x92: {  	v7 =	vld.idx.msk [tilespmem:v7+s11+$0x0], $0xffff  }
0x93: {  	v4 =	vshll.u32 v4, $0x6;
	v6 =	vld.idx.msk [tilespmem:v6+s11+$0x0], $0xffff  }
0x94: {  	v10 =	vadd.s32 v4, v10;
	v26 =	vld.idx.msk [tilespmem:v2+s12+$0x0], $0xffff  }
0x95: {  	v15 =	vadd.s32 v4, v15;
	v5 =	vld.idx.msk [tilespmem:v5+s12+$0x0], $0xffff  }
0x96: {  	v9 =	vadd.s32 v4, v9;
	v27 =	vld.idx.msk [tilespmem:v3+s12+$0x0], $0xffff;
	v28 =	vpop (erf)  }
0x97: {  	v8 =	vadd.s32 v4, v8;
	v3 =	vld.idx.msk [tilespmem:v3+s11+$0x0], $0xffff;
	v12 =	vmul.f32 v28, v12;
	v14 =	vmul.f32 v28, v14  }
0x98: {  	v13 =	vmul.f32 v28, v13;
	v11 =	vmul.f32 v28, v11;
	v7 =	vadd.s32 v4, v7;
	v2 =	vld.idx.msk [tilespmem:v2+s11+$0x0], $0xffff  }
0x99: {  	[tilespmem:v10+s14+$0x0] =	vst.idx.msk $0xffff, v12;
	v10 =	vmul.f32 v25, v12;
	v12 =	vmul.f32 v28, v16  }
0x9a: {  	v16 =	vmul.f32 v28, v19;
	[tilespmem:v15+s14+$0x0] =	vst.idx.msk $0xffff, v14;
	v15 =	vmul.f32 v28, v17  }
0x9b: {  	v5 =	vmul.f32 v5, v14;
	v10 =	vadd.f32 $0.0e+00, v10;
	[tilespmem:v9+s14+$0x0] =	vst.idx.msk $0xffff, v13;
	v9 =	vmul.f32 v28, v22  }
0x9c: {  	v6 =	vadd.s32 v4, v6;
	[tilespmem:v8+s14+$0x0] =	vst.idx.msk $0xffff, v11  }
0x9d: {  	v8 =	vmul.f32 v24, v13;
	v3 =	vadd.s32 v4, v3;
	v5 =	vadd.f32 v5, v10  }
0x9e: {  	v2 =	vadd.s32 v4, v2;
	[tilespmem:v7+s14+$0x0] =	vst.idx.msk $0xffff, v12  }
0x9f: {  	v4 =	vadd.f32 v8, v5;
	v5 =	vmul.f32 v20, v11;
	_ =	sdelay $0x1  }
0xa0: {  	v4 =	vadd.f32 v5, v4;
	v5 =	vmul.f32 v23, v12;
	[tilespmem:v6+s14+$0x0] =	vst.idx.msk $0xffff, v15  }
0xa1: {  	[tilespmem:v3+s14+$0x0] =	vst.idx.msk $0xffff, v16  }
0xa2: {  	v3 =	vadd.f32 v5, v4;
	v4 =	vmul.f32 v21, v15;
	[tilespmem:v2+s14+$0x0] =	vst.idx.msk $0xffff, v9;
	_ =	sdelay $0x1  }
0xa3: {  	v2 =	vadd.f32 v4, v3;
	v3 =	vmul.f32 v27, v16;
	_ =	sdelay $0x1  }
0xa4: {  	v2 =	vadd.f32 v3, v2;
	v3 =	vmul.f32 v26, v9  }
.Ltmp1:
0xa5: {  	v4 =	vor.u32 s18, v1;
	(pc) =	sbr.rel @p0 .LBB2_4-.Ltmp1, $4  }
0xa6: {  	v10 =	vshll.u32 v4, $0x3;
	v2 =	vadd.f32 v3, v2  }
0xa7: {  	v5 =	vor.u32 $0x1, v10;
	v9 =	vor.u32 $0x2, v10;
	v8 =	vor.u32 $0x3, v10  }
0xa8: {  	v7 =	vor.u32 $0x4, v10;
	v6 =	vor.u32 $0x5, v10;
	v11 =	vadd.f32 v2, v18  }
0xa9: {  	v3 =	vor.u32 $0x6, v10;
	v2 =	vor.u32 $0x7, v10  }
0xaa: {  	_ =	sdelay $0x2  }
0xab: {  	[tilespmem:s17+$0x0] =	vst v11  }
0xac: {  	v11 =	vld.idx.msk [tilespmem:v10+s3+$0x0], $0xffff  }
0xad: {  	v12 =	vld.idx.msk [tilespmem:v5+s3+$0x0], $0xffff;
	_ =	sdelay $0x1  }
0xae: {  	v13 =	vld.idx.msk [tilespmem:v9+s3+$0x0], $0xffff;
	_ =	sdelay $0x1  }
0xaf: {  	v14 =	vld.idx.msk [tilespmem:v8+s3+$0x0], $0xffff;
	v15 =	vsub.f32 v11, v11  }
0xb0: {  	v12 =	vsub.f32 v12, v11  }
0xb1: {  	v16 =	vld.idx.msk [tilespmem:v7+s3+$0x0], $0xffff;
	v15 =	vmul.f32 $1.442695020e+00, v15  }
0xb2: {  	v13 =	vsub.f32 v13, v11;
	v12 =	vmul.f32 $1.442695020e+00, v12  }
0xb3: {  	v17 =	vld.idx.msk [tilespmem:v6+s3+$0x0], $0xffff;
	(erf) = vpow2.f32 v15  }
0xb4: {  	v14 =	vsub.f32 v14, v11;
	v13 =	vmul.f32 $1.442695020e+00, v13;
	(erf) = vpow2.f32 v12  }
0xb5: {  	v35 =	vld.idx.msk [tilespmem:v3+s3+$0x0], $0xffff  }
0xb6: {  	v36 =	vsub.f32 v16, v11;
	v14 =	vmul.f32 $1.442695020e+00, v14;
	(erf) = vpow2.f32 v13  }
0xb7: {  	v37 =	vld.idx.msk [tilespmem:v2+s3+$0x0], $0xffff  }
0xb8: {  	v38 =	vsub.f32 v17, v11;
	v15 =	vmul.f32 $1.442695020e+00, v36;
	(erf) = vpow2.f32 v14;
	_ =	sdelay $0x1  }
0xb9: {  	v39 =	vmul.f32 $1.442695020e+00, v38;
	v12 =	vsub.f32 v35, v11;
	(erf) = vpow2.f32 v15;
	_ =	sdelay $0x1  }
0xba: {  	v11 =	vsub.f32 v37, v11;
	v12 =	vmul.f32 $1.442695020e+00, v12;
	v40 =	vpop (erf);
	(erf) = vpow2.f32 v39  }
0xbb: {  	v41 =	vpop (erf)  }
0xbc: {  	v11 =	vmul.f32 $1.442695020e+00, v11;
	(erf) = vpow2.f32 v12;
	v42 =	vadd.f32 v41, v40  }
0xbd: {  	v43 =	vpop (erf)  }
0xbe: {  	(erf) = vpow2.f32 v11;
	v15 =	vadd.f32 v43, v42  }
0xbf: {  	v44 =	vpop (erf)  }
0xc0: {  	v15 =	vadd.f32 v44, v15  }
0xc1: {  	v45 =	vpop (erf)  }
0xc2: {  	v15 =	vadd.f32 v45, v15  }
0xc3: {  	v46 =	vpop (erf)  }
0xc4: {  	v15 =	vadd.f32 v46, v15  }
0xc5: {  	v18 =	vpop (erf)  }
0xc6: {  	v15 =	vadd.f32 v18, v15  }
0xc7: {  	v19 =	vpop (erf)  }
0xc8: {  	v15 =	vadd.f32 v19, v15;
	_ =	sdelay $0x1  }
0xc9: {  	(erf) = vrcp.f32 v15;
	_ =	sdelay $0x4  }
0xca: {  	v20 =	vld.idx.msk [tilespmem:v8+s12+$0x0], $0xffff  }
0xcb: {  	v21 =	vld.idx.msk [tilespmem:v6+s12+$0x0], $0xffff  }
0xcc: {  	v22 =	vld.idx.msk [tilespmem:v10+s12+$0x0], $0xffff  }
0xcd: {  	v23 =	vld.idx.msk [tilespmem:v7+s12+$0x0], $0xffff  }
0xce: {  	v24 =	vld.idx.msk [tilespmem:v5+s12+$0x0], $0xffff;
	v25 =	vpop (erf)  }
0xcf: {  	v48 =	vld.idx.msk [tilespmem:v10+s11+$0x0], $0xffff;
	v13 =	vmul.f32 v25, v40  }
0xd0: {  	v26 =	vld.idx.msk [tilespmem:v9+s12+$0x0], $0xffff  }
0xd1: {  	v49 =	vld.idx.msk [tilespmem:v5+s11+$0x0], $0xffff;
	v14 =	vmul.f32 v25, v41;
	v22 =	vmul.f32 v22, v13  }
0xd2: {  	v50 =	vld.idx.msk [tilespmem:v9+s11+$0x0], $0xffff  }
0xd3: {  	v51 =	vld.idx.msk [tilespmem:v8+s11+$0x0], $0xffff;
	v12 =	vmul.f32 v25, v43;
	v24 =	vmul.f32 v24, v14;
	v22 =	vadd.f32 $0.0e+00, v22  }
0xd4: {  	v52 =	vld.idx.msk [tilespmem:v7+s11+$0x0], $0xffff  }
0xd5: {  	v53 =	vld.idx.msk [tilespmem:v6+s11+$0x0], $0xffff;
	v11 =	vmul.f32 v25, v44;
	v54 =	vmul.f32 v26, v12;
	v22 =	vadd.f32 v24, v22  }
0xd6: {  	v4 =	vshll.u32 v4, $0x6;
	v55 =	vld.idx.msk [tilespmem:v2+s12+$0x0], $0xffff  }
0xd7: {  	v27 =	vld.idx.msk [tilespmem:v3+s12+$0x0], $0xffff;
	v16 =	vmul.f32 v25, v45;
	v20 =	vmul.f32 v20, v11;
	v22 =	vadd.f32 v54, v22  }
0xd8: {  	v3 =	vld.idx.msk [tilespmem:v3+s11+$0x0], $0xffff;
	v10 =	vadd.s32 v4, v48;
	v5 =	vadd.s32 v4, v49  }
0xd9: {  	v2 =	vld.idx.msk [tilespmem:v2+s11+$0x0], $0xffff;
	v17 =	vmul.f32 v25, v46;
	v56 =	vmul.f32 v23, v16;
	v20 =	vadd.f32 v20, v22  }
0xda: {  	v9 =	vadd.s32 v4, v50;
	v8 =	vadd.s32 v4, v51  }
0xdb: {  	v57 =	vmul.f32 v25, v18;
	v59 =	vmul.f32 v21, v17;
	v58 =	vadd.f32 v56, v20  }
0xdc: {  	s18 =	sand.u32 $0x30, s18;
	v7 =	vadd.s32 v4, v52;
	v6 =	vadd.s32 v4, v53;
	v60 =	vmul.f32 v25, v19  }
0xdd: {  	v47 =	vld [tilespmem:s18+$0x3000];
	[tilespmem:v10+s14+$0x0] =	vst.idx.msk $0xffff, v13;
	v61 =	vmul.f32 v27, v57;
	v13 =	vadd.f32 v59, v58  }
0xde: {  	v3 =	vadd.s32 v4, v3;
	v2 =	vadd.s32 v4, v2;
	[tilespmem:v5+s14+$0x0] =	vst.idx.msk $0xffff, v14  }
0xdf: {  	v63 =	vmul.f32 v55, v60;
	[tilespmem:v9+s14+$0x0] =	vst.idx.msk $0xffff, v12;
	v62 =	vadd.f32 v61, v13  }
0xe0: {  	[tilespmem:v8+s14+$0x0] =	vst.idx.msk $0xffff, v11  }
0xe1: {  	[tilespmem:v7+s14+$0x0] =	vst.idx.msk $0xffff, v16;
	v4 =	vadd.f32 v63, v62  }
0xe2: {  	[tilespmem:v6+s14+$0x0] =	vst.idx.msk $0xffff, v17  }
0xe3: {  	[tilespmem:v3+s14+$0x0] =	vst.idx.msk $0xffff, v57;
	v3 =	vadd.f32 v4, v47  }
0xe4: {  	s31 =	sadd.s32 $0x10, s17;
	[tilespmem:v2+s14+$0x0] =	vst.idx.msk $0xffff, v60  }
0xe5: {  	[tilespmem:s31+$0x0] =	vst v3  }
0xe6: {  	[hbm4b:s7+s3] =	stream.linear.scatter [tilespmem:s14], [sflag:$0x1], $0x8000, $0x38;
	[tilespmem:$0xB280] =	vst v63  }
0xe7: {  	s16 =	sadd.s32 $0x1, s16;
	_ =	swait.ge [sflag:s10], $0x8000  }
0xe8: {  	p0 =	sne.s32 s16, s9;
	[sflag:s10] =	ssyncset.done $0x0  }
.Ltmp2:
0xe9: {  	[sflag:s10] =	ssyncadd.s32 $0xFFFF8000;
	(pc) =	sbr.rel @p0 .LBB2_1-.Ltmp2, $4  }
0xea: {  	[hbm4b:s8+s3] =	stream.linear.scatter [tilespmem:s15], [sflag:$0x1], $0x200, $0x38;
	[tilespmem:$0xB280] =	vst v63  }
0xeb: {  	_ =	swait.ge [sflag:s10], $0x200  }
0xec: {  	[sflag:s10] =	ssyncset.done $0x0  }
0xed: {  	[sflag:s10] =	ssyncadd.s32 $0xFFFFFE00  }
0xee: {  	_ =	sfence.sel $0x180000  }
0xef: {  	[bflag:$0x0] =	sbarrier.arrive $0xFFFF  }
0xf0: {  	p0 =	sne.s32 s1, $0x0;
	_ =	strace $0x90000047  }
0xf1: {  	s0 =	sadd.s32 @!p0 $0x100000, s0;
	[bflag:$0x2] =	sbarrier.arrive $0xFFFF  }
0xf2: {  	[sflag:s0] =	ssyncadd.tile.s32 @!p0 $0x1;
	_ =	shalt  }
.Lfunc_end2:
_tile_overlayer_lowered:
.L_overlay_start_2:
0xf3: {  	(tag) =	ssettag $0x2  }
0xf4: {  	s0 =	rddreg [dreg:$0x0];
	s2 =	stileid.u32  }
0xf5: {  	s1 =	rddreg [dreg:$0x1];
	p0 =	sne.s32 s2, $0x0  }
0xf6: {  	s3 =	rddreg [dreg:$0x2];
	[bflag:$0x3] =	sbarrier.arrive $0xFFFF;
	s2 =	simm.s32 @!p0 $0x1C01  }
0xf7: {  	[timem:s3], [sflag:s2] =	dma.local @!p0 [hbm:s0], s1  }
0xf8: {  	s0 =	simm.s32 @!p0 $0x1  }
0xf9: {  	_ =	swait.ge @!p0 [sflag:s0], s1  }
0xfa: {  	s1 =	ssub.s32 @!p0 $0x0, s1;
	[sflag:s0] =	ssyncset.done @!p0 $0x0  }
0xfb: {  	[sflag:s0] =	ssyncadd.s32 @!p0 s1  }
0xfc: {  	[bflag:$0x3] =	sbarrier.arrive $0xFFFF  }
0xfd: {  	_ =	shalt  }

</sc_bundles>
